<compile_context>
chip_gen: v7x
topology: tpu7x:2x2x1
jax: 0.10.2.dev20260603
libtpu: 0.0.44.dev20260713+nightly
codegen_flags: <defaults>
</compile_context>

<pallas_src>
import functools

import jax
import jax.numpy as jnp
from jax import lax
from jax.experimental import pallas as pl
from jax.experimental.pallas import tpu as pltpu
from jax.experimental.pallas import tpu_sc as plsc

N = 8388608
NBINS = 65536
NC = 2
NS = 16
NW = NC * NS
NPW = N // NW
NPW2 = 2 * NPW
CHUNK = 16384
NCHUNKS = NPW // CHUNK
UNROLL = 8

def _i32(v):
    return jnp.int32(v)


def _hist_body(x_hbm, out_hbm, hist, buf0, buf1, sem0, sem1):
    cid = lax.axis_index("c").astype(jnp.int32)
    sid = lax.axis_index("s").astype(jnp.int32)
    wid = sid * _i32(NC) + cid
    base = wid * _i32(NPW)

    zeros = jnp.zeros((16,), jnp.int32)

    def zero_body(i):
        hist[pl.ds(i * _i32(16), 16)] = zeros

    plsc.parallel_loop(_i32(0), _i32(NBINS // 16), _i32(1), unroll=8)(zero_body)

    ones = jnp.ones((16,), jnp.int32)
    sems = [sem0, sem1]
    bufs = [buf0, buf1]

    copies = [None, None]
    copies[0] = pltpu.async_copy(
        x_hbm.at[pl.ds(base, CHUNK)], bufs[0], sems[0])
    for k in range(NCHUNKS):
        cur = k % 2
        nxt = (k + 1) % 2
        if k + 1 < NCHUNKS:
            copies[nxt] = pltpu.async_copy(
                x_hbm.at[pl.ds(base + _i32((k + 1) * CHUNK), CHUNK)],
                bufs[nxt], sems[nxt])
        copies[cur].wait()
        b = bufs[cur]

        def chunk_body(j):
            idx = plsc.bitcast(b[pl.ds(j * _i32(16), 16)], jnp.int32)
            plsc.addupdate_scatter(hist, [idx], ones)

        plsc.parallel_loop(_i32(0), _i32(CHUNK // 16), _i32(1), unroll=UNROLL)(chunk_body)

    pltpu.sync_copy(hist, out_hbm.at[pl.ds(wid * _i32(NBINS), NBINS)])


@functools.cache
def _sc_hist():
    mesh = plsc.VectorSubcoreMesh(
        core_axis_name="c", subcore_axis_name="s", num_cores=NC, num_subcores=NS)
    return pl.kernel(
        _hist_body,
        out_type=jax.ShapeDtypeStruct((NW * NBINS,), jnp.int32),
        mesh=mesh,
        scratch_types=[
            pltpu.VMEM((NBINS,), jnp.int32),
            pltpu.VMEM((CHUNK,), jnp.uint32),
            pltpu.VMEM((CHUNK,), jnp.uint32),
            pltpu.SemaphoreType.DMA,
            pltpu.SemaphoreType.DMA,
        ],
        compiler_params=pltpu.CompilerParams(needs_layout_passes=False),
    )


def _merge_body(p_ref, o_ref):
    o_ref[...] = jnp.sum(p_ref[...], axis=0, dtype=jnp.int32)


def kernel(x):
    xi = x.astype(jnp.uint32)
    partials = _sc_hist()(xi)
    p3 = partials.reshape(NW, NBINS // 128, 128)
    merged = pl.pallas_call(
        _merge_body,
        out_shape=jax.ShapeDtypeStruct((NBINS // 128, 128), jnp.int32),
    )(p3)
    return merged.reshape(NBINS).astype(jnp.int64)

# --- scband reference (transcript-rebuilt; emitter-appended) ---
"""Pipeline reference for scband-bincount-static-size-module-38474317038176 (READ-ONLY COPY).

The authoritative reference and input builder live on the scoring server;
editing this copy changes nothing except your own understanding.
"""

import jax
jax.config.update('jax_enable_x64', True)
import jax.numpy as jnp
import numpy as np

N = 8388608
NBINS = 65536

def setup_inputs(seed: int = 0) -> dict:
    key = jax.random.key(seed)
    x = jax.random.randint(key, (N,), 0, NBINS, dtype=jnp.int64)
    return {"x": x}

def reference(x):
    # torch.ops.aten.bincount(x) with no weights and minlength=0 returns counts of
    # length max(x)+1. With x drawn uniformly from [0, NBINS), max(x)+1 == NBINS
    # with overwhelming probability; we use a static length for jit-compatibility.
    return jnp.bincount(x, length=NBINS)

if __name__ == "__main__":
    import jax
    _d = setup_inputs()
    print(jax.jit(kernel)(*tuple(_d.values())))

</pallas_src>

<mosaic_0001>
#map = affine_map<(d0, d1) -> (0)>
module attributes {stable_mosaic.version = 14 : i64} {
  func.func @_hist_body(%arg0: i32, %arg1: i32, %arg2: memref<8388608xi32, #tpu.memory_space<hbm>>, %arg3: memref<2097152xi32, #tpu.memory_space<hbm>>, %arg4: memref<65536xi32, #tpu.memory_space<vmem>>, %arg5: memref<16384xi32, #tpu.memory_space<vmem>>, %arg6: memref<16384xi32, #tpu.memory_space<vmem>>, %arg7: memref<!tpu.dma_semaphore, #tpu.memory_space<semaphore_mem>>, %arg8: memref<!tpu.dma_semaphore, #tpu.memory_space<semaphore_mem>>) attributes {dimension_semantics = [#tpu.dimension_semantics<core_parallel>, #tpu.dimension_semantics<subcore_parallel>], iteration_bounds = array<i64: 2, 16>, scalar_prefetch = 0 : i64, scratch_operands = 5 : i64, tpu.core_type = #tpu.core_type<sc_vector_subcore>, window_params = [{transform_indices = #map}, {transform_indices = #map}]} {
    %mul3A = arith.constant 2 : i32
    %mul3A_0 = arith.muli %arg1, %mul3A : i32
    %add3A = arith.addi %mul3A_0, %arg0 : i32
    %mul3A_1 = arith.constant 262144 : i32
    %mul3A_2 = arith.muli %add3A, %mul3A_1 : i32
    %broadcast_in_dim3A = arith.constant 0 : i32
    %broadcast_in_dim3A_3 = vector.broadcast %broadcast_in_dim3A : i32 to vector<16xi32>
    %parallel_loop3A = arith.constant 0 : i32
    %parallel_loop3A_4 = arith.constant 4096 : i32
    %parallel_loop3A_5 = arith.constant 1 : i32
    scf.for %parallel_loop3A_150 = %parallel_loop3A to %parallel_loop3A_4 step %parallel_loop3A_5  : i32 {
      %parallel_loop3A_151 = arith.constant 16 : i32
      %parallel_loop3A_152 = arith.muli %parallel_loop3A_150, %parallel_loop3A_151 : i32
      %parallel_loop3A_153 = arith.index_cast %parallel_loop3A_152 : i32 to index
      %parallel_loop3A_154 = tpu.vector_load %arg4[%parallel_loop3A_153] {strides = array<i32>} : memref<65536xi32, #tpu.memory_space<vmem>>, vector<16xi32>,
      tpu.vector_store %arg4[%parallel_loop3A_153], %broadcast_in_dim3A_3 {strides = array<i32>} : memref<65536xi32, #tpu.memory_space<vmem>>, vector<16xi32>,
    } {sc.loop_unroll_factor = 8 : i64, sc.parallel_access}
    %broadcast_in_dim3A_6 = arith.constant 1 : i32
    %broadcast_in_dim3A_7 = vector.broadcast %broadcast_in_dim3A_6 : i32 to vector<16xi32>
    %dma_start3A = tpu.memref_slice %arg2[%mul3A_2] : memref<8388608xi32, #tpu.memory_space<hbm>> -> memref<16384xi32, #tpu.memory_space<hbm>>
    %dma_start3A_8 = tpu.memref_slice %arg2[%mul3A_2] : memref<8388608xi32, #tpu.memory_space<hbm>> -> memref<16384xi32, #tpu.memory_space<hbm>>
    tpu.enqueue_dma source(%dma_start3A_8 : memref<16384xi32, #tpu.memory_space<hbm>>) target(%arg5 : memref<16384xi32, #tpu.memory_space<vmem>>) target_semaphore(%arg7 : memref<!tpu.dma_semaphore, #tpu.memory_space<semaphore_mem>>)
    %add3A_9 = arith.constant 16384 : i32
    %add3A_10 = arith.addi %mul3A_2, %add3A_9 : i32
    %dma_start3A_11 = tpu.memref_slice %arg2[%add3A_10] : memref<8388608xi32, #tpu.memory_space<hbm>> -> memref<16384xi32, #tpu.memory_space<hbm>>
    %dma_start3A_12 = tpu.memref_slice %arg2[%add3A_10] : memref<8388608xi32, #tpu.memory_space<hbm>> -> memref<16384xi32, #tpu.memory_space<hbm>>
    tpu.enqueue_dma source(%dma_start3A_12 : memref<16384xi32, #tpu.memory_space<hbm>>) target(%arg6 : memref<16384xi32, #tpu.memory_space<vmem>>) target_semaphore(%arg8 : memref<!tpu.dma_semaphore, #tpu.memory_space<semaphore_mem>>)
    %dma_wait3A = tpu.memref_slice %arg2[%mul3A_2] : memref<8388608xi32, #tpu.memory_space<hbm>> -> memref<16384xi32, #tpu.memory_space<hbm>>
    %dma_wait3A_13 = tpu.memref_slice %arg2[%mul3A_2] : memref<8388608xi32, #tpu.memory_space<hbm>> -> memref<16384xi32, #tpu.memory_space<hbm>>
    tpu.wait_dma2 semaphore(%arg7 : memref<!tpu.dma_semaphore, #tpu.memory_space<semaphore_mem>>) src(%dma_wait3A_13 : memref<16384xi32, #tpu.memory_space<hbm>>) dst(%arg5 : memref<16384xi32, #tpu.memory_space<vmem>>)
    %parallel_loop3A_14 = arith.constant 0 : i32
    %parallel_loop3A_15 = arith.constant 1024 : i32
    %parallel_loop3A_16 = arith.constant 1 : i32
    scf.for %parallel_loop3A_150 = %parallel_loop3A_14 to %parallel_loop3A_15 step %parallel_loop3A_16  : i32 {
      %parallel_loop3A_151 = arith.constant 16 : i32
      %parallel_loop3A_152 = arith.muli %parallel_loop3A_150, %parallel_loop3A_151 : i32
      %parallel_loop3A_153 = arith.index_cast %parallel_loop3A_152 : i32 to index
      %parallel_loop3A_154 = tpu.vector_load %arg5[%parallel_loop3A_153] {strides = array<i32>} : memref<16384xi32, #tpu.memory_space<vmem>>, vector<16xi32>,
      %parallel_loop3A_155 = vector.bitcast %parallel_loop3A_154 : vector<16xi32> to vector<16xi32>
      tpu.vector_store_idx %arg4[%parallel_loop3A_155], %broadcast_in_dim3A_7 {add = true} : memref<65536xi32, #tpu.memory_space<vmem>>[vector<16xi32>], vector<16xi32>,
    } {sc.loop_unroll_factor = 8 : i64, sc.parallel_access}
    %add3A_17 = arith.constant 32768 : i32
    %add3A_18 = arith.addi %mul3A_2, %add3A_17 : i32
    %dma_start3A_19 = tpu.memref_slice %arg2[%add3A_18] : memref<8388608xi32, #tpu.memory_space<hbm>> -> memref<16384xi32, #tpu.memory_space<hbm>>
    %dma_start3A_20 = tpu.memref_slice %arg2[%add3A_18] : memref<8388608xi32, #tpu.memory_space<hbm>> -> memref<16384xi32, #tpu.memory_space<hbm>>
    tpu.enqueue_dma source(%dma_start3A_20 : memref<16384xi32, #tpu.memory_space<hbm>>) target(%arg5 : memref<16384xi32, #tpu.memory_space<vmem>>) target_semaphore(%arg7 : memref<!tpu.dma_semaphore, #tpu.memory_space<semaphore_mem>>)
    %dma_wait3A_21 = tpu.memref_slice %arg2[%add3A_10] : memref<8388608xi32, #tpu.memory_space<hbm>> -> memref<16384xi32, #tpu.memory_space<hbm>>
    %dma_wait3A_22 = tpu.memref_slice %arg2[%add3A_10] : memref<8388608xi32, #tpu.memory_space<hbm>> -> memref<16384xi32, #tpu.memory_space<hbm>>
    tpu.wait_dma2 semaphore(%arg8 : memref<!tpu.dma_semaphore, #tpu.memory_space<semaphore_mem>>) src(%dma_wait3A_22 : memref<16384xi32, #tpu.memory_space<hbm>>) dst(%arg6 : memref<16384xi32, #tpu.memory_space<vmem>>)
    %parallel_loop3A_23 = arith.constant 0 : i32
    %parallel_loop3A_24 = arith.constant 1024 : i32
    %parallel_loop3A_25 = arith.constant 1 : i32
    scf.for %parallel_loop3A_150 = %parallel_loop3A_23 to %parallel_loop3A_24 step %parallel_loop3A_25  : i32 {
      %parallel_loop3A_151 = arith.constant 16 : i32
      %parallel_loop3A_152 = arith.muli %parallel_loop3A_150, %parallel_loop3A_151 : i32
      %parallel_loop3A_153 = arith.index_cast %parallel_loop3A_152 : i32 to index
      %parallel_loop3A_154 = tpu.vector_load %arg6[%parallel_loop3A_153] {strides = array<i32>} : memref<16384xi32, #tpu.memory_space<vmem>>, vector<16xi32>,
      %parallel_loop3A_155 = vector.bitcast %parallel_loop3A_154 : vector<16xi32> to vector<16xi32>
      tpu.vector_store_idx %arg4[%parallel_loop3A_155], %broadcast_in_dim3A_7 {add = true} : memref<65536xi32, #tpu.memory_space<vmem>>[vector<16xi32>], vector<16xi32>,
    } {sc.loop_unroll_factor = 8 : i64, sc.parallel_access}
    %add3A_26 = arith.constant 49152 : i32
    %add3A_27 = arith.addi %mul3A_2, %add3A_26 : i32
    %dma_start3A_28 = tpu.memref_slice %arg2[%add3A_27] : memref<8388608xi32, #tpu.memory_space<hbm>> -> memref<16384xi32, #tpu.memory_space<hbm>>
    %dma_start3A_29 = tpu.memref_slice %arg2[%add3A_27] : memref<8388608xi32, #tpu.memory_space<hbm>> -> memref<16384xi32, #tpu.memory_space<hbm>>
    tpu.enqueue_dma source(%dma_start3A_29 : memref<16384xi32, #tpu.memory_space<hbm>>) target(%arg6 : memref<16384xi32, #tpu.memory_space<vmem>>) target_semaphore(%arg8 : memref<!tpu.dma_semaphore, #tpu.memory_space<semaphore_mem>>)
    %dma_wait3A_30 = tpu.memref_slice %arg2[%add3A_18] : memref<8388608xi32, #tpu.memory_space<hbm>> -> memref<16384xi32, #tpu.memory_space<hbm>>
    %dma_wait3A_31 = tpu.memref_slice %arg2[%add3A_18] : memref<8388608xi32, #tpu.memory_space<hbm>> -> memref<16384xi32, #tpu.memory_space<hbm>>
    tpu.wait_dma2 semaphore(%arg7 : memref<!tpu.dma_semaphore, #tpu.memory_space<semaphore_mem>>) src(%dma_wait3A_31 : memref<16384xi32, #tpu.memory_space<hbm>>) dst(%arg5 : memref<16384xi32, #tpu.memory_space<vmem>>)
    %parallel_loop3A_32 = arith.constant 0 : i32
    %parallel_loop3A_33 = arith.constant 1024 : i32
    %parallel_loop3A_34 = arith.constant 1 : i32
    scf.for %parallel_loop3A_150 = %parallel_loop3A_32 to %parallel_loop3A_33 step %parallel_loop3A_34  : i32 {
      %parallel_loop3A_151 = arith.constant 16 : i32
      %parallel_loop3A_152 = arith.muli %parallel_loop3A_150, %parallel_loop3A_151 : i32
      %parallel_loop3A_153 = arith.index_cast %parallel_loop3A_152 : i32 to index
      %parallel_loop3A_154 = tpu.vector_load %arg5[%parallel_loop3A_153] {strides = array<i32>} : memref<16384xi32, #tpu.memory_space<vmem>>, vector<16xi32>,
      %parallel_loop3A_155 = vector.bitcast %parallel_loop3A_154 : vector<16xi32> to vector<16xi32>
      tpu.vector_store_idx %arg4[%parallel_loop3A_155], %broadcast_in_dim3A_7 {add = true} : memref<65536xi32, #tpu.memory_space<vmem>>[vector<16xi32>], vector<16xi32>,
    } {sc.loop_unroll_factor = 8 : i64, sc.parallel_access}
    %add3A_35 = arith.constant 65536 : i32
    %add3A_36 = arith.addi %mul3A_2, %add3A_35 : i32
    %dma_start3A_37 = tpu.memref_slice %arg2[%add3A_36] : memref<8388608xi32, #tpu.memory_space<hbm>> -> memref<16384xi32, #tpu.memory_space<hbm>>
    %dma_start3A_38 = tpu.memref_slice %arg2[%add3A_36] : memref<8388608xi32, #tpu.memory_space<hbm>> -> memref<16384xi32, #tpu.memory_space<hbm>>
    tpu.enqueue_dma source(%dma_start3A_38 : memref<16384xi32, #tpu.memory_space<hbm>>) target(%arg5 : memref<16384xi32, #tpu.memory_space<vmem>>) target_semaphore(%arg7 : memref<!tpu.dma_semaphore, #tpu.memory_space<semaphore_mem>>)
    %dma_wait3A_39 = tpu.memref_slice %arg2[%add3A_27] : memref<8388608xi32, #tpu.memory_space<hbm>> -> memref<16384xi32, #tpu.memory_space<hbm>>
    %dma_wait3A_40 = tpu.memref_slice %arg2[%add3A_27] : memref<8388608xi32, #tpu.memory_space<hbm>> -> memref<16384xi32, #tpu.memory_space<hbm>>
    tpu.wait_dma2 semaphore(%arg8 : memref<!tpu.dma_semaphore, #tpu.memory_space<semaphore_mem>>) src(%dma_wait3A_40 : memref<16384xi32, #tpu.memory_space<hbm>>) dst(%arg6 : memref<16384xi32, #tpu.memory_space<vmem>>)
    %parallel_loop3A_41 = arith.constant 0 : i32
    %parallel_loop3A_42 = arith.constant 1024 : i32
    %parallel_loop3A_43 = arith.constant 1 : i32
    scf.for %parallel_loop3A_150 = %parallel_loop3A_41 to %parallel_loop3A_42 step %parallel_loop3A_43  : i32 {
      %parallel_loop3A_151 = arith.constant 16 : i32
      %parallel_loop3A_152 = arith.muli %parallel_loop3A_150, %parallel_loop3A_151 : i32
      %parallel_loop3A_153 = arith.index_cast %parallel_loop3A_152 : i32 to index
      %parallel_loop3A_154 = tpu.vector_load %arg6[%parallel_loop3A_153] {strides = array<i32>} : memref<16384xi32, #tpu.memory_space<vmem>>, vector<16xi32>,
      %parallel_loop3A_155 = vector.bitcast %parallel_loop3A_154 : vector<16xi32> to vector<16xi32>
      tpu.vector_store_idx %arg4[%parallel_loop3A_155], %broadcast_in_dim3A_7 {add = true} : memref<65536xi32, #tpu.memory_space<vmem>>[vector<16xi32>], vector<16xi32>,
    } {sc.loop_unroll_factor = 8 : i64, sc.parallel_access}
    %add3A_44 = arith.constant 81920 : i32
    %add3A_45 = arith.addi %mul3A_2, %add3A_44 : i32
    %dma_start3A_46 = tpu.memref_slice %arg2[%add3A_45] : memref<8388608xi32, #tpu.memory_space<hbm>> -> memref<16384xi32, #tpu.memory_space<hbm>>
    %dma_start3A_47 = tpu.memref_slice %arg2[%add3A_45] : memref<8388608xi32, #tpu.memory_space<hbm>> -> memref<16384xi32, #tpu.memory_space<hbm>>
    tpu.enqueue_dma source(%dma_start3A_47 : memref<16384xi32, #tpu.memory_space<hbm>>) target(%arg6 : memref<16384xi32, #tpu.memory_space<vmem>>) target_semaphore(%arg8 : memref<!tpu.dma_semaphore, #tpu.memory_space<semaphore_mem>>)
    %dma_wait3A_48 = tpu.memref_slice %arg2[%add3A_36] : memref<8388608xi32, #tpu.memory_space<hbm>> -> memref<16384xi32, #tpu.memory_space<hbm>>
    %dma_wait3A_49 = tpu.memref_slice %arg2[%add3A_36] : memref<8388608xi32, #tpu.memory_space<hbm>> -> memref<16384xi32, #tpu.memory_space<hbm>>
    tpu.wait_dma2 semaphore(%arg7 : memref<!tpu.dma_semaphore, #tpu.memory_space<semaphore_mem>>) src(%dma_wait3A_49 : memref<16384xi32, #tpu.memory_space<hbm>>) dst(%arg5 : memref<16384xi32, #tpu.memory_space<vmem>>)
    %parallel_loop3A_50 = arith.constant 0 : i32
    %parallel_loop3A_51 = arith.constant 1024 : i32
    %parallel_loop3A_52 = arith.constant 1 : i32
    scf.for %parallel_loop3A_150 = %parallel_loop3A_50 to %parallel_loop3A_51 step %parallel_loop3A_52  : i32 {
      %parallel_loop3A_151 = arith.constant 16 : i32
      %parallel_loop3A_152 = arith.muli %parallel_loop3A_150, %parallel_loop3A_151 : i32
      %parallel_loop3A_153 = arith.index_cast %parallel_loop3A_152 : i32 to index
      %parallel_loop3A_154 = tpu.vector_load %arg5[%parallel_loop3A_153] {strides = array<i32>} : memref<16384xi32, #tpu.memory_space<vmem>>, vector<16xi32>,
      %parallel_loop3A_155 = vector.bitcast %parallel_loop3A_154 : vector<16xi32> to vector<16xi32>
      tpu.vector_store_idx %arg4[%parallel_loop3A_155], %broadcast_in_dim3A_7 {add = true} : memref<65536xi32, #tpu.memory_space<vmem>>[vector<16xi32>], vector<16xi32>,
    } {sc.loop_unroll_factor = 8 : i64, sc.parallel_access}
    %add3A_53 = arith.constant 98304 : i32
    %add3A_54 = arith.addi %mul3A_2, %add3A_53 : i32
    %dma_start3A_55 = tpu.memref_slice %arg2[%add3A_54] : memref<8388608xi32, #tpu.memory_space<hbm>> -> memref<16384xi32, #tpu.memory_space<hbm>>
    %dma_start3A_56 = tpu.memref_slice %arg2[%add3A_54] : memref<8388608xi32, #tpu.memory_space<hbm>> -> memref<16384xi32, #tpu.memory_space<hbm>>
    tpu.enqueue_dma source(%dma_start3A_56 : memref<16384xi32, #tpu.memory_space<hbm>>) target(%arg5 : memref<16384xi32, #tpu.memory_space<vmem>>) target_semaphore(%arg7 : memref<!tpu.dma_semaphore, #tpu.memory_space<semaphore_mem>>)
    %dma_wait3A_57 = tpu.memref_slice %arg2[%add3A_45] : memref<8388608xi32, #tpu.memory_space<hbm>> -> memref<16384xi32, #tpu.memory_space<hbm>>
    %dma_wait3A_58 = tpu.memref_slice %arg2[%add3A_45] : memref<8388608xi32, #tpu.memory_space<hbm>> -> memref<16384xi32, #tpu.memory_space<hbm>>
    tpu.wait_dma2 semaphore(%arg8 : memref<!tpu.dma_semaphore, #tpu.memory_space<semaphore_mem>>) src(%dma_wait3A_58 : memref<16384xi32, #tpu.memory_space<hbm>>) dst(%arg6 : memref<16384xi32, #tpu.memory_space<vmem>>)
    %parallel_loop3A_59 = arith.constant 0 : i32
    %parallel_loop3A_60 = arith.constant 1024 : i32
    %parallel_loop3A_61 = arith.constant 1 : i32
    scf.for %parallel_loop3A_150 = %parallel_loop3A_59 to %parallel_loop3A_60 step %parallel_loop3A_61  : i32 {
      %parallel_loop3A_151 = arith.constant 16 : i32
      %parallel_loop3A_152 = arith.muli %parallel_loop3A_150, %parallel_loop3A_151 : i32
      %parallel_loop3A_153 = arith.index_cast %parallel_loop3A_152 : i32 to index
      %parallel_loop3A_154 = tpu.vector_load %arg6[%parallel_loop3A_153] {strides = array<i32>} : memref<16384xi32, #tpu.memory_space<vmem>>, vector<16xi32>,
      %parallel_loop3A_155 = vector.bitcast %parallel_loop3A_154 : vector<16xi32> to vector<16xi32>
      tpu.vector_store_idx %arg4[%parallel_loop3A_155], %broadcast_in_dim3A_7 {add = true} : memref<65536xi32, #tpu.memory_space<vmem>>[vector<16xi32>], vector<16xi32>,
    } {sc.loop_unroll_factor = 8 : i64, sc.parallel_access}
    %add3A_62 = arith.constant 114688 : i32
    %add3A_63 = arith.addi %mul3A_2, %add3A_62 : i32
    %dma_start3A_64 = tpu.memref_slice %arg2[%add3A_63] : memref<8388608xi32, #tpu.memory_space<hbm>> -> memref<16384xi32, #tpu.memory_space<hbm>>
    %dma_start3A_65 = tpu.memref_slice %arg2[%add3A_63] : memref<8388608xi32, #tpu.memory_space<hbm>> -> memref<16384xi32, #tpu.memory_space<hbm>>
    tpu.enqueue_dma source(%dma_start3A_65 : memref<16384xi32, #tpu.memory_space<hbm>>) target(%arg6 : memref<16384xi32, #tpu.memory_space<vmem>>) target_semaphore(%arg8 : memref<!tpu.dma_semaphore, #tpu.memory_space<semaphore_mem>>)
    %dma_wait3A_66 = tpu.memref_slice %arg2[%add3A_54] : memref<8388608xi32, #tpu.memory_space<hbm>> -> memref<16384xi32, #tpu.memory_space<hbm>>
    %dma_wait3A_67 = tpu.memref_slice %arg2[%add3A_54] : memref<8388608xi32, #tpu.memory_space<hbm>> -> memref<16384xi32, #tpu.memory_space<hbm>>
    tpu.wait_dma2 semaphore(%arg7 : memref<!tpu.dma_semaphore, #tpu.memory_space<semaphore_mem>>) src(%dma_wait3A_67 : memref<16384xi32, #tpu.memory_space<hbm>>) dst(%arg5 : memref<16384xi32, #tpu.memory_space<vmem>>)
    %parallel_loop3A_68 = arith.constant 0 : i32
    %parallel_loop3A_69 = arith.constant 1024 : i32
    %parallel_loop3A_70 = arith.constant 1 : i32
    scf.for %parallel_loop3A_150 = %parallel_loop3A_68 to %parallel_loop3A_69 step %parallel_loop3A_70  : i32 {
      %parallel_loop3A_151 = arith.constant 16 : i32
      %parallel_loop3A_152 = arith.muli %parallel_loop3A_150, %parallel_loop3A_151 : i32
      %parallel_loop3A_153 = arith.index_cast %parallel_loop3A_152 : i32 to index
      %parallel_loop3A_154 = tpu.vector_load %arg5[%parallel_loop3A_153] {strides = array<i32>} : memref<16384xi32, #tpu.memory_space<vmem>>, vector<16xi32>,
      %parallel_loop3A_155 = vector.bitcast %parallel_loop3A_154 : vector<16xi32> to vector<16xi32>
      tpu.vector_store_idx %arg4[%parallel_loop3A_155], %broadcast_in_dim3A_7 {add = true} : memref<65536xi32, #tpu.memory_space<vmem>>[vector<16xi32>], vector<16xi32>,
    } {sc.loop_unroll_factor = 8 : i64, sc.parallel_access}
    %add3A_71 = arith.constant 131072 : i32
    %add3A_72 = arith.addi %mul3A_2, %add3A_71 : i32
    %dma_start3A_73 = tpu.memref_slice %arg2[%add3A_72] : memref<8388608xi32, #tpu.memory_space<hbm>> -> memref<16384xi32, #tpu.memory_space<hbm>>
    %dma_start3A_74 = tpu.memref_slice %arg2[%add3A_72] : memref<8388608xi32, #tpu.memory_space<hbm>> -> memref<16384xi32, #tpu.memory_space<hbm>>
    tpu.enqueue_dma source(%dma_start3A_74 : memref<16384xi32, #tpu.memory_space<hbm>>) target(%arg5 : memref<16384xi32, #tpu.memory_space<vmem>>) target_semaphore(%arg7 : memref<!tpu.dma_semaphore, #tpu.memory_space<semaphore_mem>>)
    %dma_wait3A_75 = tpu.memref_slice %arg2[%add3A_63] : memref<8388608xi32, #tpu.memory_space<hbm>> -> memref<16384xi32, #tpu.memory_space<hbm>>
    %dma_wait3A_76 = tpu.memref_slice %arg2[%add3A_63] : memref<8388608xi32, #tpu.memory_space<hbm>> -> memref<16384xi32, #tpu.memory_space<hbm>>
    tpu.wait_dma2 semaphore(%arg8 : memref<!tpu.dma_semaphore, #tpu.memory_space<semaphore_mem>>) src(%dma_wait3A_76 : memref<16384xi32, #tpu.memory_space<hbm>>) dst(%arg6 : memref<16384xi32, #tpu.memory_space<vmem>>)
    %parallel_loop3A_77 = arith.constant 0 : i32
    %parallel_loop3A_78 = arith.constant 1024 : i32
    %parallel_loop3A_79 = arith.constant 1 : i32
    scf.for %parallel_loop3A_150 = %parallel_loop3A_77 to %parallel_loop3A_78 step %parallel_loop3A_79  : i32 {
      %parallel_loop3A_151 = arith.constant 16 : i32
      %parallel_loop3A_152 = arith.muli %parallel_loop3A_150, %parallel_loop3A_151 : i32
      %parallel_loop3A_153 = arith.index_cast %parallel_loop3A_152 : i32 to index
      %parallel_loop3A_154 = tpu.vector_load %arg6[%parallel_loop3A_153] {strides = array<i32>} : memref<16384xi32, #tpu.memory_space<vmem>>, vector<16xi32>,
      %parallel_loop3A_155 = vector.bitcast %parallel_loop3A_154 : vector<16xi32> to vector<16xi32>
      tpu.vector_store_idx %arg4[%parallel_loop3A_155], %broadcast_in_dim3A_7 {add = true} : memref<65536xi32, #tpu.memory_space<vmem>>[vector<16xi32>], vector<16xi32>,
    } {sc.loop_unroll_factor = 8 : i64, sc.parallel_access}
    %add3A_80 = arith.constant 147456 : i32
    %add3A_81 = arith.addi %mul3A_2, %add3A_80 : i32
    %dma_start3A_82 = tpu.memref_slice %arg2[%add3A_81] : memref<8388608xi32, #tpu.memory_space<hbm>> -> memref<16384xi32, #tpu.memory_space<hbm>>
    %dma_start3A_83 = tpu.memref_slice %arg2[%add3A_81] : memref<8388608xi32, #tpu.memory_space<hbm>> -> memref<16384xi32, #tpu.memory_space<hbm>>
    tpu.enqueue_dma source(%dma_start3A_83 : memref<16384xi32, #tpu.memory_space<hbm>>) target(%arg6 : memref<16384xi32, #tpu.memory_space<vmem>>) target_semaphore(%arg8 : memref<!tpu.dma_semaphore, #tpu.memory_space<semaphore_mem>>)
    %dma_wait3A_84 = tpu.memref_slice %arg2[%add3A_72] : memref<8388608xi32, #tpu.memory_space<hbm>> -> memref<16384xi32, #tpu.memory_space<hbm>>
    %dma_wait3A_85 = tpu.memref_slice %arg2[%add3A_72] : memref<8388608xi32, #tpu.memory_space<hbm>> -> memref<16384xi32, #tpu.memory_space<hbm>>
    tpu.wait_dma2 semaphore(%arg7 : memref<!tpu.dma_semaphore, #tpu.memory_space<semaphore_mem>>) src(%dma_wait3A_85 : memref<16384xi32, #tpu.memory_space<hbm>>) dst(%arg5 : memref<16384xi32, #tpu.memory_space<vmem>>)
    %parallel_loop3A_86 = arith.constant 0 : i32
    %parallel_loop3A_87 = arith.constant 1024 : i32
    %parallel_loop3A_88 = arith.constant 1 : i32
    scf.for %parallel_loop3A_150 = %parallel_loop3A_86 to %parallel_loop3A_87 step %parallel_loop3A_88  : i32 {
      %parallel_loop3A_151 = arith.constant 16 : i32
      %parallel_loop3A_152 = arith.muli %parallel_loop3A_150, %parallel_loop3A_151 : i32
      %parallel_loop3A_153 = arith.index_cast %parallel_loop3A_152 : i32 to index
      %parallel_loop3A_154 = tpu.vector_load %arg5[%parallel_loop3A_153] {strides = array<i32>} : memref<16384xi32, #tpu.memory_space<vmem>>, vector<16xi32>,
      %parallel_loop3A_155 = vector.bitcast %parallel_loop3A_154 : vector<16xi32> to vector<16xi32>
      tpu.vector_store_idx %arg4[%parallel_loop3A_155], %broadcast_in_dim3A_7 {add = true} : memref<65536xi32, #tpu.memory_space<vmem>>[vector<16xi32>], vector<16xi32>,
    } {sc.loop_unroll_factor = 8 : i64, sc.parallel_access}
    %add3A_89 = arith.constant 163840 : i32
    %add3A_90 = arith.addi %mul3A_2, %add3A_89 : i32
    %dma_start3A_91 = tpu.memref_slice %arg2[%add3A_90] : memref<8388608xi32, #tpu.memory_space<hbm>> -> memref<16384xi32, #tpu.memory_space<hbm>>
    %dma_start3A_92 = tpu.memref_slice %arg2[%add3A_90] : memref<8388608xi32, #tpu.memory_space<hbm>> -> memref<16384xi32, #tpu.memory_space<hbm>>
    tpu.enqueue_dma source(%dma_start3A_92 : memref<16384xi32, #tpu.memory_space<hbm>>) target(%arg5 : memref<16384xi32, #tpu.memory_space<vmem>>) target_semaphore(%arg7 : memref<!tpu.dma_semaphore, #tpu.memory_space<semaphore_mem>>)
    %dma_wait3A_93 = tpu.memref_slice %arg2[%add3A_81] : memref<8388608xi32, #tpu.memory_space<hbm>> -> memref<16384xi32, #tpu.memory_space<hbm>>
    %dma_wait3A_94 = tpu.memref_slice %arg2[%add3A_81] : memref<8388608xi32, #tpu.memory_space<hbm>> -> memref<16384xi32, #tpu.memory_space<hbm>>
    tpu.wait_dma2 semaphore(%arg8 : memref<!tpu.dma_semaphore, #tpu.memory_space<semaphore_mem>>) src(%dma_wait3A_94 : memref<16384xi32, #tpu.memory_space<hbm>>) dst(%arg6 : memref<16384xi32, #tpu.memory_space<vmem>>)
    %parallel_loop3A_95 = arith.constant 0 : i32
    %parallel_loop3A_96 = arith.constant 1024 : i32
    %parallel_loop3A_97 = arith.constant 1 : i32
    scf.for %parallel_loop3A_150 = %parallel_loop3A_95 to %parallel_loop3A_96 step %parallel_loop3A_97  : i32 {
      %parallel_loop3A_151 = arith.constant 16 : i32
      %parallel_loop3A_152 = arith.muli %parallel_loop3A_150, %parallel_loop3A_151 : i32
      %parallel_loop3A_153 = arith.index_cast %parallel_loop3A_152 : i32 to index
      %parallel_loop3A_154 = tpu.vector_load %arg6[%parallel_loop3A_153] {strides = array<i32>} : memref<16384xi32, #tpu.memory_space<vmem>>, vector<16xi32>,
      %parallel_loop3A_155 = vector.bitcast %parallel_loop3A_154 : vector<16xi32> to vector<16xi32>
      tpu.vector_store_idx %arg4[%parallel_loop3A_155], %broadcast_in_dim3A_7 {add = true} : memref<65536xi32, #tpu.memory_space<vmem>>[vector<16xi32>], vector<16xi32>,
    } {sc.loop_unroll_factor = 8 : i64, sc.parallel_access}
    %add3A_98 = arith.constant 180224 : i32
    %add3A_99 = arith.addi %mul3A_2, %add3A_98 : i32
    %dma_start3A_100 = tpu.memref_slice %arg2[%add3A_99] : memref<8388608xi32, #tpu.memory_space<hbm>> -> memref<16384xi32, #tpu.memory_space<hbm>>
    %dma_start3A_101 = tpu.memref_slice %arg2[%add3A_99] : memref<8388608xi32, #tpu.memory_space<hbm>> -> memref<16384xi32, #tpu.memory_space<hbm>>
    tpu.enqueue_dma source(%dma_start3A_101 : memref<16384xi32, #tpu.memory_space<hbm>>) target(%arg6 : memref<16384xi32, #tpu.memory_space<vmem>>) target_semaphore(%arg8 : memref<!tpu.dma_semaphore, #tpu.memory_space<semaphore_mem>>)
    %dma_wait3A_102 = tpu.memref_slice %arg2[%add3A_90] : memref<8388608xi32, #tpu.memory_space<hbm>> -> memref<16384xi32, #tpu.memory_space<hbm>>
    %dma_wait3A_103 = tpu.memref_slice %arg2[%add3A_90] : memref<8388608xi32, #tpu.memory_space<hbm>> -> memref<16384xi32, #tpu.memory_space<hbm>>
    tpu.wait_dma2 semaphore(%arg7 : memref<!tpu.dma_semaphore, #tpu.memory_space<semaphore_mem>>) src(%dma_wait3A_103 : memref<16384xi32, #tpu.memory_space<hbm>>) dst(%arg5 : memref<16384xi32, #tpu.memory_space<vmem>>)
    %parallel_loop3A_104 = arith.constant 0 : i32
    %parallel_loop3A_105 = arith.constant 1024 : i32
    %parallel_loop3A_106 = arith.constant 1 : i32
    scf.for %parallel_loop3A_150 = %parallel_loop3A_104 to %parallel_loop3A_105 step %parallel_loop3A_106  : i32 {
      %parallel_loop3A_151 = arith.constant 16 : i32
      %parallel_loop3A_152 = arith.muli %parallel_loop3A_150, %parallel_loop3A_151 : i32
      %parallel_loop3A_153 = arith.index_cast %parallel_loop3A_152 : i32 to index
      %parallel_loop3A_154 = tpu.vector_load %arg5[%parallel_loop3A_153] {strides = array<i32>} : memref<16384xi32, #tpu.memory_space<vmem>>, vector<16xi32>,
      %parallel_loop3A_155 = vector.bitcast %parallel_loop3A_154 : vector<16xi32> to vector<16xi32>
      tpu.vector_store_idx %arg4[%parallel_loop3A_155], %broadcast_in_dim3A_7 {add = true} : memref<65536xi32, #tpu.memory_space<vmem>>[vector<16xi32>], vector<16xi32>,
    } {sc.loop_unroll_factor = 8 : i64, sc.parallel_access}
    %add3A_107 = arith.constant 196608 : i32
    %add3A_108 = arith.addi %mul3A_2, %add3A_107 : i32
    %dma_start3A_109 = tpu.memref_slice %arg2[%add3A_108] : memref<8388608xi32, #tpu.memory_space<hbm>> -> memref<16384xi32, #tpu.memory_space<hbm>>
    %dma_start3A_110 = tpu.memref_slice %arg2[%add3A_108] : memref<8388608xi32, #tpu.memory_space<hbm>> -> memref<16384xi32, #tpu.memory_space<hbm>>
    tpu.enqueue_dma source(%dma_start3A_110 : memref<16384xi32, #tpu.memory_space<hbm>>) target(%arg5 : memref<16384xi32, #tpu.memory_space<vmem>>) target_semaphore(%arg7 : memref<!tpu.dma_semaphore, #tpu.memory_space<semaphore_mem>>)
    %dma_wait3A_111 = tpu.memref_slice %arg2[%add3A_99] : memref<8388608xi32, #tpu.memory_space<hbm>> -> memref<16384xi32, #tpu.memory_space<hbm>>
    %dma_wait3A_112 = tpu.memref_slice %arg2[%add3A_99] : memref<8388608xi32, #tpu.memory_space<hbm>> -> memref<16384xi32, #tpu.memory_space<hbm>>
    tpu.wait_dma2 semaphore(%arg8 : memref<!tpu.dma_semaphore, #tpu.memory_space<semaphore_mem>>) src(%dma_wait3A_112 : memref<16384xi32, #tpu.memory_space<hbm>>) dst(%arg6 : memref<16384xi32, #tpu.memory_space<vmem>>)
    %parallel_loop3A_113 = arith.constant 0 : i32
    %parallel_loop3A_114 = arith.constant 1024 : i32
    %parallel_loop3A_115 = arith.constant 1 : i32
    scf.for %parallel_loop3A_150 = %parallel_loop3A_113 to %parallel_loop3A_114 step %parallel_loop3A_115  : i32 {
      %parallel_loop3A_151 = arith.constant 16 : i32
      %parallel_loop3A_152 = arith.muli %parallel_loop3A_150, %parallel_loop3A_151 : i32
      %parallel_loop3A_153 = arith.index_cast %parallel_loop3A_152 : i32 to index
      %parallel_loop3A_154 = tpu.vector_load %arg6[%parallel_loop3A_153] {strides = array<i32>} : memref<16384xi32, #tpu.memory_space<vmem>>, vector<16xi32>,
      %parallel_loop3A_155 = vector.bitcast %parallel_loop3A_154 : vector<16xi32> to vector<16xi32>
      tpu.vector_store_idx %arg4[%parallel_loop3A_155], %broadcast_in_dim3A_7 {add = true} : memref<65536xi32, #tpu.memory_space<vmem>>[vector<16xi32>], vector<16xi32>,
    } {sc.loop_unroll_factor = 8 : i64, sc.parallel_access}
    %add3A_116 = arith.constant 212992 : i32
    %add3A_117 = arith.addi %mul3A_2, %add3A_116 : i32
    %dma_start3A_118 = tpu.memref_slice %arg2[%add3A_117] : memref<8388608xi32, #tpu.memory_space<hbm>> -> memref<16384xi32, #tpu.memory_space<hbm>>
    %dma_start3A_119 = tpu.memref_slice %arg2[%add3A_117] : memref<8388608xi32, #tpu.memory_space<hbm>> -> memref<16384xi32, #tpu.memory_space<hbm>>
    tpu.enqueue_dma source(%dma_start3A_119 : memref<16384xi32, #tpu.memory_space<hbm>>) target(%arg6 : memref<16384xi32, #tpu.memory_space<vmem>>) target_semaphore(%arg8 : memref<!tpu.dma_semaphore, #tpu.memory_space<semaphore_mem>>)
    %dma_wait3A_120 = tpu.memref_slice %arg2[%add3A_108] : memref<8388608xi32, #tpu.memory_space<hbm>> -> memref<16384xi32, #tpu.memory_space<hbm>>
    %dma_wait3A_121 = tpu.memref_slice %arg2[%add3A_108] : memref<8388608xi32, #tpu.memory_space<hbm>> -> memref<16384xi32, #tpu.memory_space<hbm>>
    tpu.wait_dma2 semaphore(%arg7 : memref<!tpu.dma_semaphore, #tpu.memory_space<semaphore_mem>>) src(%dma_wait3A_121 : memref<16384xi32, #tpu.memory_space<hbm>>) dst(%arg5 : memref<16384xi32, #tpu.memory_space<vmem>>)
    %parallel_loop3A_122 = arith.constant 0 : i32
    %parallel_loop3A_123 = arith.constant 1024 : i32
    %parallel_loop3A_124 = arith.constant 1 : i32
    scf.for %parallel_loop3A_150 = %parallel_loop3A_122 to %parallel_loop3A_123 step %parallel_loop3A_124  : i32 {
      %parallel_loop3A_151 = arith.constant 16 : i32
      %parallel_loop3A_152 = arith.muli %parallel_loop3A_150, %parallel_loop3A_151 : i32
      %parallel_loop3A_153 = arith.index_cast %parallel_loop3A_152 : i32 to index
      %parallel_loop3A_154 = tpu.vector_load %arg5[%parallel_loop3A_153] {strides = array<i32>} : memref<16384xi32, #tpu.memory_space<vmem>>, vector<16xi32>,
      %parallel_loop3A_155 = vector.bitcast %parallel_loop3A_154 : vector<16xi32> to vector<16xi32>
      tpu.vector_store_idx %arg4[%parallel_loop3A_155], %broadcast_in_dim3A_7 {add = true} : memref<65536xi32, #tpu.memory_space<vmem>>[vector<16xi32>], vector<16xi32>,
    } {sc.loop_unroll_factor = 8 : i64, sc.parallel_access}
    %add3A_125 = arith.constant 229376 : i32
    %add3A_126 = arith.addi %mul3A_2, %add3A_125 : i32
    %dma_start3A_127 = tpu.memref_slice %arg2[%add3A_126] : memref<8388608xi32, #tpu.memory_space<hbm>> -> memref<16384xi32, #tpu.memory_space<hbm>>
    %dma_start3A_128 = tpu.memref_slice %arg2[%add3A_126] : memref<8388608xi32, #tpu.memory_space<hbm>> -> memref<16384xi32, #tpu.memory_space<hbm>>
    tpu.enqueue_dma source(%dma_start3A_128 : memref<16384xi32, #tpu.memory_space<hbm>>) target(%arg5 : memref<16384xi32, #tpu.memory_space<vmem>>) target_semaphore(%arg7 : memref<!tpu.dma_semaphore, #tpu.memory_space<semaphore_mem>>)
    %dma_wait3A_129 = tpu.memref_slice %arg2[%add3A_117] : memref<8388608xi32, #tpu.memory_space<hbm>> -> memref<16384xi32, #tpu.memory_space<hbm>>
    %dma_wait3A_130 = tpu.memref_slice %arg2[%add3A_117] : memref<8388608xi32, #tpu.memory_space<hbm>> -> memref<16384xi32, #tpu.memory_space<hbm>>
    tpu.wait_dma2 semaphore(%arg8 : memref<!tpu.dma_semaphore, #tpu.memory_space<semaphore_mem>>) src(%dma_wait3A_130 : memref<16384xi32, #tpu.memory_space<hbm>>) dst(%arg6 : memref<16384xi32, #tpu.memory_space<vmem>>)
    %parallel_loop3A_131 = arith.constant 0 : i32
    %parallel_loop3A_132 = arith.constant 1024 : i32
    %parallel_loop3A_133 = arith.constant 1 : i32
    scf.for %parallel_loop3A_150 = %parallel_loop3A_131 to %parallel_loop3A_132 step %parallel_loop3A_133  : i32 {
      %parallel_loop3A_151 = arith.constant 16 : i32
      %parallel_loop3A_152 = arith.muli %parallel_loop3A_150, %parallel_loop3A_151 : i32
      %parallel_loop3A_153 = arith.index_cast %parallel_loop3A_152 : i32 to index
      %parallel_loop3A_154 = tpu.vector_load %arg6[%parallel_loop3A_153] {strides = array<i32>} : memref<16384xi32, #tpu.memory_space<vmem>>, vector<16xi32>,
      %parallel_loop3A_155 = vector.bitcast %parallel_loop3A_154 : vector<16xi32> to vector<16xi32>
      tpu.vector_store_idx %arg4[%parallel_loop3A_155], %broadcast_in_dim3A_7 {add = true} : memref<65536xi32, #tpu.memory_space<vmem>>[vector<16xi32>], vector<16xi32>,
    } {sc.loop_unroll_factor = 8 : i64, sc.parallel_access}
    %add3A_134 = arith.constant 245760 : i32
    %add3A_135 = arith.addi %mul3A_2, %add3A_134 : i32
    %dma_start3A_136 = tpu.memref_slice %arg2[%add3A_135] : memref<8388608xi32, #tpu.memory_space<hbm>> -> memref<16384xi32, #tpu.memory_space<hbm>>
    %dma_start3A_137 = tpu.memref_slice %arg2[%add3A_135] : memref<8388608xi32, #tpu.memory_space<hbm>> -> memref<16384xi32, #tpu.memory_space<hbm>>
    tpu.enqueue_dma source(%dma_start3A_137 : memref<16384xi32, #tpu.memory_space<hbm>>) target(%arg6 : memref<16384xi32, #tpu.memory_space<vmem>>) target_semaphore(%arg8 : memref<!tpu.dma_semaphore, #tpu.memory_space<semaphore_mem>>)
    %dma_wait3A_138 = tpu.memref_slice %arg2[%add3A_126] : memref<8388608xi32, #tpu.memory_space<hbm>> -> memref<16384xi32, #tpu.memory_space<hbm>>
    %dma_wait3A_139 = tpu.memref_slice %arg2[%add3A_126] : memref<8388608xi32, #tpu.memory_space<hbm>> -> memref<16384xi32, #tpu.memory_space<hbm>>
    tpu.wait_dma2 semaphore(%arg7 : memref<!tpu.dma_semaphore, #tpu.memory_space<semaphore_mem>>) src(%dma_wait3A_139 : memref<16384xi32, #tpu.memory_space<hbm>>) dst(%arg5 : memref<16384xi32, #tpu.memory_space<vmem>>)
    %parallel_loop3A_140 = arith.constant 0 : i32
    %parallel_loop3A_141 = arith.constant 1024 : i32
    %parallel_loop3A_142 = arith.constant 1 : i32
    scf.for %parallel_loop3A_150 = %parallel_loop3A_140 to %parallel_loop3A_141 step %parallel_loop3A_142  : i32 {
      %parallel_loop3A_151 = arith.constant 16 : i32
      %parallel_loop3A_152 = arith.muli %parallel_loop3A_150, %parallel_loop3A_151 : i32
      %parallel_loop3A_153 = arith.index_cast %parallel_loop3A_152 : i32 to index
      %parallel_loop3A_154 = tpu.vector_load %arg5[%parallel_loop3A_153] {strides = array<i32>} : memref<16384xi32, #tpu.memory_space<vmem>>, vector<16xi32>,
      %parallel_loop3A_155 = vector.bitcast %parallel_loop3A_154 : vector<16xi32> to vector<16xi32>
      tpu.vector_store_idx %arg4[%parallel_loop3A_155], %broadcast_in_dim3A_7 {add = true} : memref<65536xi32, #tpu.memory_space<vmem>>[vector<16xi32>], vector<16xi32>,
    } {sc.loop_unroll_factor = 8 : i64, sc.parallel_access}
    %dma_wait3A_143 = tpu.memref_slice %arg2[%add3A_135] : memref<8388608xi32, #tpu.memory_space<hbm>> -> memref<16384xi32, #tpu.memory_space<hbm>>
    %dma_wait3A_144 = tpu.memref_slice %arg2[%add3A_135] : memref<8388608xi32, #tpu.memory_space<hbm>> -> memref<16384xi32, #tpu.memory_space<hbm>>
    tpu.wait_dma2 semaphore(%arg8 : memref<!tpu.dma_semaphore, #tpu.memory_space<semaphore_mem>>) src(%dma_wait3A_144 : memref<16384xi32, #tpu.memory_space<hbm>>) dst(%arg6 : memref<16384xi32, #tpu.memory_space<vmem>>)
    %parallel_loop3A_145 = arith.constant 0 : i32
    %parallel_loop3A_146 = arith.constant 1024 : i32
    %parallel_loop3A_147 = arith.constant 1 : i32
    scf.for %parallel_loop3A_150 = %parallel_loop3A_145 to %parallel_loop3A_146 step %parallel_loop3A_147  : i32 {
      %parallel_loop3A_151 = arith.constant 16 : i32
      %parallel_loop3A_152 = arith.muli %parallel_loop3A_150, %parallel_loop3A_151 : i32
      %parallel_loop3A_153 = arith.index_cast %parallel_loop3A_152 : i32 to index
      %parallel_loop3A_154 = tpu.vector_load %arg6[%parallel_loop3A_153] {strides = array<i32>} : memref<16384xi32, #tpu.memory_space<vmem>>, vector<16xi32>,
      %parallel_loop3A_155 = vector.bitcast %parallel_loop3A_154 : vector<16xi32> to vector<16xi32>
      tpu.vector_store_idx %arg4[%parallel_loop3A_155], %broadcast_in_dim3A_7 {add = true} : memref<65536xi32, #tpu.memory_space<vmem>>[vector<16xi32>], vector<16xi32>,
    } {sc.loop_unroll_factor = 8 : i64, sc.parallel_access}
    %mul3A_148 = arith.constant 65536 : i32
    %mul3A_149 = arith.muli %add3A, %mul3A_148 : i32
    "tpu.region"() ({
      %run_scoped3A = tpu.sem_alloc : memref<!tpu.dma_semaphore, #tpu.memory_space<semaphore_mem>>
      %dma_start3A_150 = tpu.memref_slice %arg3[%mul3A_149] : memref<2097152xi32, #tpu.memory_space<hbm>> -> memref<65536xi32, #tpu.memory_space<hbm>>
      %dma_start3A_151 = tpu.memref_slice %arg3[%mul3A_149] : memref<2097152xi32, #tpu.memory_space<hbm>> -> memref<65536xi32, #tpu.memory_space<hbm>>
      tpu.enqueue_dma source(%arg4 : memref<65536xi32, #tpu.memory_space<vmem>>) target(%dma_start3A_151 : memref<65536xi32, #tpu.memory_space<hbm>>) target_semaphore(%run_scoped3A : memref<!tpu.dma_semaphore, #tpu.memory_space<semaphore_mem>>)
      %dma_wait3A_152 = tpu.memref_slice %arg3[%mul3A_149] : memref<2097152xi32, #tpu.memory_space<hbm>> -> memref<65536xi32, #tpu.memory_space<hbm>>
      %dma_wait3A_153 = tpu.memref_slice %arg3[%mul3A_149] : memref<2097152xi32, #tpu.memory_space<hbm>> -> memref<65536xi32, #tpu.memory_space<hbm>>
      tpu.wait_dma2 semaphore(%run_scoped3A : memref<!tpu.dma_semaphore, #tpu.memory_space<semaphore_mem>>) src(%arg4 : memref<65536xi32, #tpu.memory_space<vmem>>) dst(%dma_wait3A_153 : memref<65536xi32, #tpu.memory_space<hbm>>)
      tpu.yield
    }) : () -> ()
    return
  }
}

module attributes {stable_mosaic.version = 14 : i64} {
  func.func @_merge_body(%arg0: memref<32x512x128xi32, #tpu.memory_space<vmem>>, %arg1: memref<512x128xi32, #tpu.memory_space<vmem>>) attributes {dimension_semantics = [], scalar_prefetch = 0 : i64, scratch_operands = 0 : i64, tpu.core_type = #tpu.core_type<tc>} {
    %get3A = arith.constant 0 : index
    %get3A_0 = arith.constant 0 : index
    %get3A_1 = arith.constant 0 : index
    %get3A_2 = vector.load %arg0[%get3A, %get3A_0, %get3A_1] : memref<32x512x128xi32, #tpu.memory_space<vmem>>, vector<32x512x128xi32>
    %reduce_sum3A = arith.constant dense<0> : vector<512x128xi32>
    %reduce_sum3A_3 = vector.multi_reduction <add>, %get3A_2, %reduce_sum3A [0] : vector<32x512x128xi32> to vector<512x128xi32>
    %swap3A = arith.constant 0 : index
    %swap3A_4 = arith.constant 0 : index
    %swap3A_5 = vector.load %arg1[%swap3A, %swap3A_4] : memref<512x128xi32, #tpu.memory_space<vmem>>, vector<512x128xi32>
    tpu.vector_store %arg1[%swap3A, %swap3A_4], %reduce_sum3A_3 {strides = array<i32>} : memref<512x128xi32, #tpu.memory_space<vmem>>, vector<512x128xi32>,
    return
  }
}

</mosaic_0001>

<sc_bundles>
// kernel: kernel.4.cloned.1.call-start
scs
__scs_entry_jumppad:
0x0: {  	(pc) =	sbr.rel $0x88, $3  }
0x1: {  	(tag) =	ssettag $0x0;
	lr =	simm.s32 $0x1  }
0x2: {  	[smem:$0x3FA0] =	sst lr;
	_ =	strace $0xD0000000  }
0x3: {  	_ = 	snop  }
0x4: {  	_ = 	snop  }
0x5: {  	_ = 	snop  }
0x6: {  	_ = 	snop  }
0x7: {  	_ = 	snop  }
__scs_overlays_trampoline_lowered:
0x8: {  	[smem:$0x3FAF] =	sst s0  }
0x9: {  	[smem:$0x3FB0] =	sst s1  }
0xa: {  	[smem:$0x3FB1] =	sst s2  }
0xb: {  	[smem:$0x3FB2] =	sst s3  }
0xc: {  	[smem:$0x3FB3] =	sst s4  }
0xd: {  	[smem:$0x3FB4] =	sst s5  }
0xe: {  	[smem:$0x3FB5] =	sst s6  }
0xf: {  	[smem:$0x3FB6] =	sst s7  }
0x10: {  	[smem:$0x3FB7] =	sst s8  }
0x11: {  	[smem:$0x3FB8] =	sst s9;
	s0 =	simm.s32 @!p0 $0x0  }
0x12: {  	s1 =	sld [smem:$0x3F9E];
	s0 =	simm.s32 @p0 $0x1  }
0x13: {  	[smem:$0x3FB9] =	sst s0;
	s0 =	simm.s32 @!p1 $0x0  }
0x14: {  	s2 =	sld [smem:$0x3F9D];
	s0 =	simm.s32 @p1 $0x1  }
0x15: {  	[smem:$0x3FBA] =	sst s0;
	s0 =	simm.s32 @!p2 $0x0  }
0x16: {  	s3 =	sld [smem:$0x3FDB];
	s0 =	simm.s32 @p2 $0x1  }
0x17: {  	s4 =	simm.s32 $0x1BF5;
	[smem:$0x3FBC] =	sst s0  }
0x18: {  	s0 =	sld [smem:$0x3F9F];
	_ =	swait.ge [sflag:s4], $0x0  }
0x19: {  	s7 =	sld [smem:$0x3FA0]  }
0x1a: {  	s8 =	sadd.s32 $0xFFFFE003, lr  }
0x1b: {  	s9 =	sadd.s32 $0xFFFFFEF7, lr;
	s5 =	simm.s32 $0xFFFFFFFF;
	p2 =	slt.u32 s8, $0xFFFFF086  }
0x1c: {  	p1 =	slt.u32 s9, $0xF7A;
	s5 =	simm.s32 @!p2 $0x0  }
0x1d: {  	s5 =	simm.s32 @p1 $0x1;
	p0 =	seq.s32 s7, s2  }
0x1e: {  	s7 =	smul.u32 @!p0 $0xF7A, s2;
	p2 =	seq.s32 @!p0 s5, $0x0  }
0x1f: {  	s9 =	smul.u32 $0xF7A, s1;
	s8 =	simm.s32 @!p0 $0x1BF5;
	p2 =	por !p2, p0  }
0x20: {  	[sflag:s8] =	ssyncset.s32 @!p0 $0xFFFFF086;
	s6 =	sadd.s32 @!p0 s3, s7;
	s7 =	simm.s32 @!p0 $0x108  }
0x21: {  	s3 =	sadd.s32 s3, s9;
	s6 =	sadd.s32 @!p0 $0x88, s6;
	s7 =	simm.s32 @p2 $0x1082  }
0x22: {  	[simem:s7], [sflag:s8] =	dma.local @!p0 [hbm:s6], $0xF7A  }
0x23: {  	s9 =	sor.u32 $0xD0000000, s2;
	s6 =	simm.s32 $0x108;
	_ =	swait.ge @!p0 [sflag:s8], $0x0  }
0x24: {  	s3 =	sadd.s32 $0x88, s3;
	s6 =	simm.s32 @!p1 $0x1082;
	[sflag:s4] =	ssyncset.s32 $0xFFFFF086  }
0x25: {  	[simem:s6], [sflag:s4] =	dma.local [hbm:s3], $0xF7A  }
0x26: {  	[smem:$0x3FA0] =	sst s1;
	(tag) =	ssettag s2;
	_ =	strace s9  }
0x27: {  	s1 =	sld [smem:$0x3FB0]  }
0x28: {  	s2 =	sld [smem:$0x3FB1]  }
0x29: {  	s4 =	sld [smem:$0x3FB3]  }
0x2a: {  	p0 =	seq.s32 s5, $0x0;
	s5 =	sld [smem:$0x3FB4]  }
0x2b: {  	s6 =	sld [smem:$0x3FB5]  }
0x2c: {  	s7 =	sld [smem:$0x3FB6]  }
0x2d: {  	s3 =	simm.s32 $0x108;
	s8 =	sld [smem:$0x3FB7]  }
0x2e: {  	s3 =	simm.s32 @!p0 $0x1082;
	s9 =	sld [smem:$0x3FB8]  }
0x2f: {  	lr =	sadd.s32 s0, s3;
	s0 =	sld [smem:$0x3FAF]  }
0x30: {  	s3 =	sld [smem:$0x3FB2]  }
0x31: {  	[smem:$0x3FBB] =	sst s10  }
0x32: {  	s10 =	sld [smem:$0x3FB9];
	_ =	sdelay $0x3  }
0x33: {  	p0 =	seq.s32 s10, $0x1;
	s10 =	sld [smem:$0x3FBB];
	_ =	sdelay $0x3  }
0x34: {  	[smem:$0x3FBB] =	sst s10  }
0x35: {  	s10 =	sld [smem:$0x3FBA];
	_ =	sdelay $0x3  }
0x36: {  	p1 =	seq.s32 s10, $0x1;
	s10 =	sld [smem:$0x3FBB];
	_ =	sdelay $0x3  }
0x37: {  	[smem:$0x3FBB] =	sst s10  }
0x38: {  	s10 =	sld [smem:$0x3FBC]  }
0x39: {  	_ = 	snop;
	(pc) =	sbr.ind lr, $3  }
0x3a: {  	_ = 	snop  }
0x3b: {  	_ = 	snop  }
0x3c: {  	p2 =	seq.s32 s10, $0x1;
	s10 =	sld [smem:$0x3FBB]  }
0x3d: {  	_ =	shalt  }
0x3e: {  	_ =	shalt  }
0x3f: {  	_ =	shalt  }
0x40: {  	_ =	shalt  }
0x41: {  	_ =	shalt  }
0x42: {  	_ =	shalt  }
0x43: {  	_ =	shalt  }
0x44: {  	_ =	shalt  }
0x45: {  	_ =	shalt  }
0x46: {  	_ =	shalt  }
0x47: {  	_ =	shalt  }
0x48: {  	_ =	shalt  }
0x49: {  	_ =	shalt  }
0x4a: {  	_ =	shalt  }
0x4b: {  	_ =	shalt  }
0x4c: {  	_ =	shalt  }
0x4d: {  	_ =	shalt  }
0x4e: {  	_ =	shalt  }
0x4f: {  	_ =	shalt  }
0x50: {  	_ =	shalt  }
0x51: {  	_ =	shalt  }
0x52: {  	_ =	shalt  }
0x53: {  	_ =	shalt  }
0x54: {  	_ =	shalt  }
0x55: {  	_ =	shalt  }
0x56: {  	_ =	shalt  }
0x57: {  	_ =	shalt  }
0x58: {  	_ =	shalt  }
0x59: {  	_ =	shalt  }
0x5a: {  	_ =	shalt  }
0x5b: {  	_ =	shalt  }
0x5c: {  	_ =	shalt  }
0x5d: {  	_ =	shalt  }
0x5e: {  	_ =	shalt  }
0x5f: {  	_ =	shalt  }
0x60: {  	_ =	shalt  }
0x61: {  	_ =	shalt  }
0x62: {  	_ =	shalt  }
0x63: {  	_ =	shalt  }
0x64: {  	_ =	shalt  }
0x65: {  	_ =	shalt  }
0x66: {  	_ =	shalt  }
0x67: {  	_ =	shalt  }
0x68: {  	_ =	shalt  }
0x69: {  	_ =	shalt  }
0x6a: {  	_ =	shalt  }
0x6b: {  	_ =	shalt  }
0x6c: {  	_ =	shalt  }
0x6d: {  	_ =	shalt  }
0x6e: {  	_ =	shalt  }
0x6f: {  	_ =	shalt  }
0x70: {  	_ =	shalt  }
0x71: {  	_ =	shalt  }
0x72: {  	_ =	shalt  }
0x73: {  	_ =	shalt  }
0x74: {  	_ =	shalt  }
0x75: {  	_ =	shalt  }
0x76: {  	_ =	shalt  }
0x77: {  	_ =	shalt  }
0x78: {  	_ =	shalt  }
0x79: {  	_ =	shalt  }
0x7a: {  	_ =	shalt  }
0x7b: {  	_ =	shalt  }
0x7c: {  	_ =	shalt  }
0x7d: {  	_ =	shalt  }
0x7e: {  	_ =	shalt  }
0x7f: {  	_ =	shalt  }
0x80: {  	_ =	shalt  }
0x81: {  	_ =	shalt  }
0x82: {  	_ =	shalt  }
0x83: {  	_ =	shalt  }
0x84: {  	_ =	shalt  }
0x85: {  	_ =	shalt  }
0x86: {  	_ =	shalt  }
0x87: {  	_ =	shalt  }
.Lfunc_end0:
.L_simem_size_0:
called_computation_lowered:
.L_overlay_start_0:
0x88: {  	s2 =	sld [smem:$0x3FD9]  }
0x89: {  	s3 =	sld [smem:$0x3FFE];
	_ =	sdelay $0x1  }
0x8a: {  	s1 =	srdreg.scid  }
0x8b: {  	s0 =	sand.u32 $0x1, s1  }
0x8c: {  	s16 =	sshll.u32 s0, $0xA;
	s2 =	sadd.s32 s3, s2  }
0x8d: {  	s2 =	sadd.s32 s2, s16  }
0x8e: {  	[smem:$0x3FC7] =	sst s2  }
0x8f: {  	_ = 	snop  }
0x90: {  	(tm) =	ssettm $0x1  }
0x91: {  	s17 =	sld [smem:$0x3FFB];
	_ =	sdelay $0x3  }
0x92: {  	_ =	strace s17  }
0x93: {  	s2 =	sld [smem:$0x3FFC];
	_ =	sdelay $0x3  }
0x94: {  	_ =	strace s2  }
0x95: {  	s2 =	sld [smem:$0x3FFD];
	_ =	sdelay $0x3  }
0x96: {  	_ =	strace s2  }
0x97: {  	_ =	strace $0x8FFFFFFF  }
0x98: {  	s18 =	sld [smem:$0x3FDB];
	_ =	sdelay $0x1  }
0x99: {  	s19 =	simm.s32 $_scs_section_size  }
0x9a: {  	s4 =	simm.s32 $_size__tile_overlayer_lowered;
	s5 =	simm.s32 $_tile_overlayer_lowered  }
0x9b: {  	s22 =	simm.s32 $0x1BFF;
	s21 =	sshll.u32 s5, $0x1;
	s2 =	sadd.s32 s19, s18  }
0x9c: {  	s6 =	simm.s32 $0x0;
	s20 =	sshll.u32 s4, $0x1;
	s4 =	sadd.s32 s21, s2  }
0x9d: {  	[timem:s6], [sflag:s22] =	dma.local [hbm:s4], s20  }
0x9e: {  	_ =	swait.ge [sflag:s22], s20  }
0x9f: {  	s3 =	ssub.s32 $0x0, s20;
	[sflag:s22] =	ssyncset.done $0x0  }
0xa0: {  	[sflag:s22] =	ssyncadd.s32 s3;
	_ =	sdelay $0x1  }
0xa1: {  	s23 =	simm.s32 $0x1B8B  }
0xa2: {  	_ =	swait.ge [sflag:s23], $0x1  }
0xa3: {  	[sflag:s23] =	ssyncset.done $0x0  }
0xa4: {  	s25 =	simm.s32 $0x1B8E;
	s24 =	sld [smem:$0x3FFE];
	[sflag:s23] =	ssyncadd.s32 $0xFFFFFFFF  }
0xa5: {  	s26 =	simm.s32 $execute0_lowered;
	[smem:$0x3FD2] =	sst s25  }
0xa6: {  	s4 =	sshll.u32 s26, $0x1;
	_ =	strace $0x80000046;
	[dreg:$0x1] =	wrdreg $0xFFFFFFFF  }
0xa7: {  	s28 =	simm.s32 $_size_execute0_lowered;
	s2 =	sadd.s32 s2, s4;
	[dreg:$0x0] =	wrdreg $0x0  }
0xa8: {  	s4 =	sshll.u32 s28, $0x1;
	[dreg:$0x2] =	wrdreg s2  }
0xa9: {  	[dreg:$0x3] =	wrdreg s4  }
0xaa: {  	[dreg:$0x4] =	wrdreg $0xC0  }
0xab: {  	_ =	task [dreg:s6], $0x5FFFF  }
0xac: {  	[dreg:$0x1] =	wrdreg $0xFFFFFFFF  }
0xad: {  	[dreg:$0x0] =	wrdreg $0x60  }
0xae: {  	[dreg:$0x2] =	wrdreg s24  }
0xaf: {  	[dreg:$0x3] =	wrdreg $0x9  }
0xb0: {  	_ =	task.clear_ibuf [dreg:s6], $0x4FFFF;
	_ =	strace $0x90000046  }
0xb1: {  	s29 =	simm.s32 $0x9;
	_ =	strace $0x80000048  }
0xb2: {  	_ =	swait.ge [sflag:s29], $0x1  }
0xb3: {  	[sflag:s29] =	ssyncadd.s32 $0xFFFFFFFF  }
0xb4: {  	_ =	strace $0x90000048  }
0xb5: {  	_ =	sfence  }
0xb6: {  	s30 =	sld [smem:$0x0];
	_ =	sdelay $0x2  }
0xb7: {  	s31 =	sshll.u32 s1, $0xD;
	s1 =	sshrl.u32 s1, $0x2  }
0xb8: {  	s3 =	sand.u32 $0x4000, s31;
	s1 =	sadd.s32 s1, s30  }
0xb9: {  	s0 =	sor.u32 s3, s0;
	s1 =	sshll.u32 s1, $0x11  }
0xba: {  	s0 =	sor.u32 s1, s0  }
0xbb: {  	s0 =	sadd.s32 $0x8F2B, s0  }
0xbc: {  	[sflag:s0] =	ssyncadd.remote.s32 $0x1  }
0xbd: {  	_ =	sfence.sel $0xFFFF  }
0xbe: {  	[dreg:$0x0] =	wrdreg $0xFFFFFFFF;
	(pc) =	sbr.abs _section_cstart, $3  }
0xbf: {  	[dreg:$0x1] =	wrdreg $0xFFFFFFFF  }
0xc0: {  	_ =	task.clear_ibuf [dreg:s6], $0x2FFFF;
	_ =	strace $0x9FFFFFFF  }
0xc1: {  	(tm) =	ssettm $0x7FFFFFFF  }
tec
execute0_lowered:
.L_overlay_start_1:
0x0: {  	(tag) =	ssettag $0x1  }
0x1: {  	s3 =	rddreg [dreg:$0x0]  }
0x2: {  	s0 =	rddreg [dreg:$0x1]  }
0x3: {  	s2 =	simm.s32 $0x0;
	s4 =	srdreg.scid;
	s1 =	stileid.u32  }
0x4: {  	s21 =	simm.s32 $0x10000;
	s22 =	simm.s32 $0x14000;
	s23 =	simm.s32 $0x1  }
0x5: {  	s24 =	simm.s32 $0x2;
	s25 =	simm.s32 $0x3;
	s26 =	simm.s32 $0x0  }
0x6: {  	[smem:$0x7FF] =	sst s2;
	s4 =	sand.u32 $0x1, s4;
	s5 =	sshll.u32 s1, $0x1  }
0x7: {  	_ =	strace $0x80000047;
	s5 =	sor.u32 s4, s5;
	s4 =	ssub.s32 $0x2, s4  }
0x8: {  	s6 =	sshll.u32 s5, $0xF;
	s5 =	sshll.u32 s5, $0xD;
	s7 =	sshrl.u32 s4, $0x1  }
0x9: {  	s18 =	sadd.s32 s6, s3;
	s19 =	sadd.s32 s5, s3;
	s20 =	ssub.s32 s4, s7  }
0xa: {  	s3 =	sadd.s32 $0x800, s18;
	s4 =	sadd.s32 $0x1000, s18;
	s5 =	sadd.s32 $0x1800, s18  }
0xb: {  	s6 =	sadd.s32 $0x2000, s18;
	s7 =	sadd.s32 $0x2800, s18;
	s8 =	sadd.s32 $0x3000, s18  }
0xc: {  	s9 =	sadd.s32 $0x3800, s18;
	s10 =	sadd.s32 $0x4000, s18;
	s11 =	sadd.s32 $0x4800, s18  }
0xd: {  	s12 =	sadd.s32 $0x5000, s18;
	s13 =	sadd.s32 $0x5800, s18;
	s14 =	sadd.s32 $0x6000, s18  }
0xe: {  	s15 =	sadd.s32 $0x6800, s18;
	s16 =	sadd.s32 $0x7000, s18;
	s17 =	sadd.s32 $0x7800, s18  }
0xf: {  	v0 =	vimm.s32 $0x0;
	v1 =	vimm.s32 $0x1;
	s18 =	sadd.s32 $0x8000, s18;
	s19 =	sadd.s32 $0x100800, s19;
	s20 =	smax.u32 s20, $0x1  }
.LBB2_1:
0x10: {  	s28 =	simm.s32 $0x40  }
0x11: {  	[tilespmem:s28+$0xFFFFFFC0] =	vst v0  }
0x12: {  	[tilespmem:s28+$0x30] =	vst v0  }
0x13: {  	[tilespmem:s28+$0x20] =	vst v0  }
0x14: {  	[tilespmem:s28+$0x10] =	vst v0  }
0x15: {  	[tilespmem:s28+$0x0] =	vst v0  }
0x16: {  	[tilespmem:s28+$0xFFFFFFF0] =	vst v0  }
0x17: {  	s29 =	simm.s32 $0x0;
	[tilespmem:s28+$0xFFFFFFE0] =	vst v0  }
.LBB2_2:
0x18: {  	s29 =	sadd.s32 $0x8, s29;
	[tilespmem:s28+$0xFFFFFFD0] =	vst v0;
	s28 =	sadd.s32 $0x80, s28  }
0x19: {  	[tilespmem:s28+$0xFFFFFFC0] =	vst v0;
	p0 =	slt.u32 s29, $0xFF8  }
0x1a: {  	[tilespmem:s28+$0x30] =	vst v0  }
.Ltmp0:
0x1b: {  	[tilespmem:s28+$0x20] =	vst v0;
	(pc) =	sbr.rel @p0 .LBB2_2-.Ltmp0, $4  }
0x1c: {  	[tilespmem:s28+$0x10] =	vst v0  }
0x1d: {  	[tilespmem:s28+$0x0] =	vst v0  }
0x1e: {  	[tilespmem:s28+$0xFFFFFFF0] =	vst v0  }
0x1f: {  	[tilespmem:s28+$0xFFFFFFE0] =	vst v0  }
0x20: {  	[tilespmem:s28+$0xFFFFFFD0] =	vst v0  }
0x21: {  	[tilespmem:s21], [sflag:$0x1] =	stream.linear.gather [hbm4b:s3+s2], $0x4000, $0x38;
	[tilespmem:$0x18000] =	vst v63  }
0x22: {  	_ = 	snop  }
0x23: {  	[tilespmem:s22], [sflag:$0x2] =	stream.linear.gather [hbm4b:s4+s2], $0x4000, $0x38;
	[tilespmem:$0x18000] =	vst v63  }
0x24: {  	_ =	swait.ge [sflag:s23], $0x4000  }
0x25: {  	[sflag:s23] =	ssyncset.done $0x0  }
0x26: {  	s28 =	simm.s32 $0x10040;
	[sflag:s23] =	ssyncadd.s32 $0xFFFFC000  }
0x27: {  	v3 =	vld [tilespmem:s28+$0xFFFFFFC0]  }
0x28: {  	v4 =	vld [tilespmem:s28+$0x30]  }
0x29: {  	v5 =	vld [tilespmem:s28+$0x20]  }
0x2a: {  	v6 =	vld [tilespmem:s28+$0x10]  }
0x2b: {  	v7 =	vld [tilespmem:s28+$0x0]  }
0x2c: {  	v8 =	vld [tilespmem:s28+$0xFFFFFFF0]  }
0x2d: {  	v9 =	vld [tilespmem:s28+$0xFFFFFFE0]  }
0x2e: {  	v2 =	vld [tilespmem:s28+$0xFFFFFFD0]  }
0x2f: {  	[tilespmem:v3+s2+$0x0] =	vst.idx.add.s32.msk $0xffff, v1  }
0x30: {  	[tilespmem:v4+s2+$0x0] =	vst.idx.add.s32.msk $0xffff, v1  }
0x31: {  	[tilespmem:v5+s2+$0x0] =	vst.idx.add.s32.msk $0xffff, v1  }
0x32: {  	[tilespmem:v6+s2+$0x0] =	vst.idx.add.s32.msk $0xffff, v1  }
0x33: {  	[tilespmem:v7+s2+$0x0] =	vst.idx.add.s32.msk $0xffff, v1  }
0x34: {  	[tilespmem:v8+s2+$0x0] =	vst.idx.add.s32.msk $0xffff, v1  }
0x35: {  	s29 =	simm.s32 $0x0;
	[tilespmem:v9+s2+$0x0] =	vst.idx.add.s32.msk $0xffff, v1  }
.LBB2_4:
0x36: {  	s29 =	sadd.s32 $0x8, s29;
	[tilespmem:v2+s2+$0x0] =	vst.idx.add.s32.msk $0xffff, v1;
	s28 =	sadd.s32 $0x80, s28  }
0x37: {  	v3 =	vld [tilespmem:s28+$0xFFFFFFC0];
	p0 =	slt.u32 s29, $0x3F8  }
0x38: {  	v4 =	vld [tilespmem:s28+$0x30]  }
0x39: {  	v5 =	vld [tilespmem:s28+$0x20]  }
0x3a: {  	v6 =	vld [tilespmem:s28+$0x10]  }
0x3b: {  	v7 =	vld [tilespmem:s28+$0x0]  }
0x3c: {  	v8 =	vld [tilespmem:s28+$0xFFFFFFF0]  }
0x3d: {  	v9 =	vld [tilespmem:s28+$0xFFFFFFE0]  }
0x3e: {  	v2 =	vld [tilespmem:s28+$0xFFFFFFD0]  }
0x3f: {  	[tilespmem:v3+s2+$0x0] =	vst.idx.add.s32.msk $0xffff, v1  }
0x40: {  	[tilespmem:v4+s2+$0x0] =	vst.idx.add.s32.msk $0xffff, v1  }
.Ltmp1:
0x41: {  	[tilespmem:v5+s2+$0x0] =	vst.idx.add.s32.msk $0xffff, v1;
	(pc) =	sbr.rel @p0 .LBB2_4-.Ltmp1, $4  }
0x42: {  	[tilespmem:v6+s2+$0x0] =	vst.idx.add.s32.msk $0xffff, v1  }
0x43: {  	[tilespmem:v7+s2+$0x0] =	vst.idx.add.s32.msk $0xffff, v1  }
0x44: {  	[tilespmem:v8+s2+$0x0] =	vst.idx.add.s32.msk $0xffff, v1  }
0x45: {  	[tilespmem:v9+s2+$0x0] =	vst.idx.add.s32.msk $0xffff, v1  }
0x46: {  	_ =	sdelay $0x3  }
0x47: {  	[tilespmem:v2+s2+$0x0] =	vst.idx.add.s32.msk $0xffff, v1  }
0x48: {  	[tilespmem:s21], [sflag:$0x1] =	stream.linear.gather [hbm4b:s5+s2], $0x4000, $0x38;
	[tilespmem:$0x18000] =	vst v63  }
0x49: {  	_ =	swait.ge [sflag:s24], $0x4000  }
0x4a: {  	[sflag:s24] =	ssyncset.done $0x0  }
0x4b: {  	s28 =	simm.s32 $0x14040;
	[sflag:s24] =	ssyncadd.s32 $0xFFFFC000  }
0x4c: {  	v3 =	vld [tilespmem:s28+$0xFFFFFFC0]  }
0x4d: {  	v4 =	vld [tilespmem:s28+$0x30]  }
0x4e: {  	v5 =	vld [tilespmem:s28+$0x20]  }
0x4f: {  	v6 =	vld [tilespmem:s28+$0x10]  }
0x50: {  	v7 =	vld [tilespmem:s28+$0x0]  }
0x51: {  	v8 =	vld [tilespmem:s28+$0xFFFFFFF0]  }
0x52: {  	v9 =	vld [tilespmem:s28+$0xFFFFFFE0]  }
0x53: {  	v2 =	vld [tilespmem:s28+$0xFFFFFFD0]  }
0x54: {  	[tilespmem:v3+s2+$0x0] =	vst.idx.add.s32.msk $0xffff, v1  }
0x55: {  	[tilespmem:v4+s2+$0x0] =	vst.idx.add.s32.msk $0xffff, v1  }
0x56: {  	[tilespmem:v5+s2+$0x0] =	vst.idx.add.s32.msk $0xffff, v1  }
0x57: {  	[tilespmem:v6+s2+$0x0] =	vst.idx.add.s32.msk $0xffff, v1  }
0x58: {  	[tilespmem:v7+s2+$0x0] =	vst.idx.add.s32.msk $0xffff, v1  }
0x59: {  	[tilespmem:v8+s2+$0x0] =	vst.idx.add.s32.msk $0xffff, v1  }
0x5a: {  	s29 =	simm.s32 $0x0;
	[tilespmem:v9+s2+$0x0] =	vst.idx.add.s32.msk $0xffff, v1  }
.LBB2_6:
0x5b: {  	s29 =	sadd.s32 $0x8, s29;
	[tilespmem:v2+s2+$0x0] =	vst.idx.add.s32.msk $0xffff, v1;
	s28 =	sadd.s32 $0x80, s28  }
0x5c: {  	v3 =	vld [tilespmem:s28+$0xFFFFFFC0];
	p0 =	slt.u32 s29, $0x3F8  }
0x5d: {  	v4 =	vld [tilespmem:s28+$0x30]  }
0x5e: {  	v5 =	vld [tilespmem:s28+$0x20]  }
0x5f: {  	v6 =	vld [tilespmem:s28+$0x10]  }
0x60: {  	v7 =	vld [tilespmem:s28+$0x0]  }
0x61: {  	v8 =	vld [tilespmem:s28+$0xFFFFFFF0]  }
0x62: {  	v9 =	vld [tilespmem:s28+$0xFFFFFFE0]  }
0x63: {  	v2 =	vld [tilespmem:s28+$0xFFFFFFD0]  }
0x64: {  	[tilespmem:v3+s2+$0x0] =	vst.idx.add.s32.msk $0xffff, v1  }
0x65: {  	[tilespmem:v4+s2+$0x0] =	vst.idx.add.s32.msk $0xffff, v1  }
.Ltmp2:
0x66: {  	[tilespmem:v5+s2+$0x0] =	vst.idx.add.s32.msk $0xffff, v1;
	(pc) =	sbr.rel @p0 .LBB2_6-.Ltmp2, $4  }
0x67: {  	[tilespmem:v6+s2+$0x0] =	vst.idx.add.s32.msk $0xffff, v1  }
0x68: {  	[tilespmem:v7+s2+$0x0] =	vst.idx.add.s32.msk $0xffff, v1  }
0x69: {  	[tilespmem:v8+s2+$0x0] =	vst.idx.add.s32.msk $0xffff, v1  }
0x6a: {  	[tilespmem:v9+s2+$0x0] =	vst.idx.add.s32.msk $0xffff, v1  }
0x6b: {  	_ =	sdelay $0x3  }
0x6c: {  	[tilespmem:v2+s2+$0x0] =	vst.idx.add.s32.msk $0xffff, v1  }
0x6d: {  	[tilespmem:s22], [sflag:$0x2] =	stream.linear.gather [hbm4b:s6+s2], $0x4000, $0x38;
	[tilespmem:$0x18000] =	vst v63  }
0x6e: {  	_ =	swait.ge [sflag:s23], $0x4000  }
0x6f: {  	[sflag:s23] =	ssyncset.done $0x0  }
0x70: {  	s28 =	simm.s32 $0x10040;
	[sflag:s23] =	ssyncadd.s32 $0xFFFFC000  }
0x71: {  	v3 =	vld [tilespmem:s28+$0xFFFFFFC0]  }
0x72: {  	v4 =	vld [tilespmem:s28+$0x30]  }
0x73: {  	v5 =	vld [tilespmem:s28+$0x20]  }
0x74: {  	v6 =	vld [tilespmem:s28+$0x10]  }
0x75: {  	v7 =	vld [tilespmem:s28+$0x0]  }
0x76: {  	v8 =	vld [tilespmem:s28+$0xFFFFFFF0]  }
0x77: {  	v9 =	vld [tilespmem:s28+$0xFFFFFFE0]  }
0x78: {  	v2 =	vld [tilespmem:s28+$0xFFFFFFD0]  }
0x79: {  	[tilespmem:v3+s2+$0x0] =	vst.idx.add.s32.msk $0xffff, v1  }
0x7a: {  	[tilespmem:v4+s2+$0x0] =	vst.idx.add.s32.msk $0xffff, v1  }
0x7b: {  	[tilespmem:v5+s2+$0x0] =	vst.idx.add.s32.msk $0xffff, v1  }
0x7c: {  	[tilespmem:v6+s2+$0x0] =	vst.idx.add.s32.msk $0xffff, v1  }
0x7d: {  	[tilespmem:v7+s2+$0x0] =	vst.idx.add.s32.msk $0xffff, v1  }
0x7e: {  	[tilespmem:v8+s2+$0x0] =	vst.idx.add.s32.msk $0xffff, v1  }
0x7f: {  	s29 =	simm.s32 $0x0;
	[tilespmem:v9+s2+$0x0] =	vst.idx.add.s32.msk $0xffff, v1  }
.LBB2_8:
0x80: {  	s29 =	sadd.s32 $0x8, s29;
	[tilespmem:v2+s2+$0x0] =	vst.idx.add.s32.msk $0xffff, v1;
	s28 =	sadd.s32 $0x80, s28  }
0x81: {  	v3 =	vld [tilespmem:s28+$0xFFFFFFC0];
	p0 =	slt.u32 s29, $0x3F8  }
0x82: {  	v4 =	vld [tilespmem:s28+$0x30]  }
0x83: {  	v5 =	vld [tilespmem:s28+$0x20]  }
0x84: {  	v6 =	vld [tilespmem:s28+$0x10]  }
0x85: {  	v7 =	vld [tilespmem:s28+$0x0]  }
0x86: {  	v8 =	vld [tilespmem:s28+$0xFFFFFFF0]  }
0x87: {  	v9 =	vld [tilespmem:s28+$0xFFFFFFE0]  }
0x88: {  	v2 =	vld [tilespmem:s28+$0xFFFFFFD0]  }
0x89: {  	[tilespmem:v3+s2+$0x0] =	vst.idx.add.s32.msk $0xffff, v1  }
0x8a: {  	[tilespmem:v4+s2+$0x0] =	vst.idx.add.s32.msk $0xffff, v1  }
.Ltmp3:
0x8b: {  	[tilespmem:v5+s2+$0x0] =	vst.idx.add.s32.msk $0xffff, v1;
	(pc) =	sbr.rel @p0 .LBB2_8-.Ltmp3, $4  }
0x8c: {  	[tilespmem:v6+s2+$0x0] =	vst.idx.add.s32.msk $0xffff, v1  }
0x8d: {  	[tilespmem:v7+s2+$0x0] =	vst.idx.add.s32.msk $0xffff, v1  }
0x8e: {  	[tilespmem:v8+s2+$0x0] =	vst.idx.add.s32.msk $0xffff, v1  }
0x8f: {  	[tilespmem:v9+s2+$0x0] =	vst.idx.add.s32.msk $0xffff, v1  }
0x90: {  	_ =	sdelay $0x3  }
0x91: {  	[tilespmem:v2+s2+$0x0] =	vst.idx.add.s32.msk $0xffff, v1  }
0x92: {  	[tilespmem:s21], [sflag:$0x1] =	stream.linear.gather [hbm4b:s7+s2], $0x4000, $0x38;
	[tilespmem:$0x18000] =	vst v63  }
0x93: {  	_ =	swait.ge [sflag:s24], $0x4000  }
0x94: {  	[sflag:s24] =	ssyncset.done $0x0  }
0x95: {  	s28 =	simm.s32 $0x14040;
	[sflag:s24] =	ssyncadd.s32 $0xFFFFC000  }
0x96: {  	v3 =	vld [tilespmem:s28+$0xFFFFFFC0]  }
0x97: {  	v4 =	vld [tilespmem:s28+$0x30]  }
0x98: {  	v5 =	vld [tilespmem:s28+$0x20]  }
0x99: {  	v6 =	vld [tilespmem:s28+$0x10]  }
0x9a: {  	v7 =	vld [tilespmem:s28+$0x0]  }
0x9b: {  	v8 =	vld [tilespmem:s28+$0xFFFFFFF0]  }
0x9c: {  	v9 =	vld [tilespmem:s28+$0xFFFFFFE0]  }
0x9d: {  	v2 =	vld [tilespmem:s28+$0xFFFFFFD0]  }
0x9e: {  	[tilespmem:v3+s2+$0x0] =	vst.idx.add.s32.msk $0xffff, v1  }
0x9f: {  	[tilespmem:v4+s2+$0x0] =	vst.idx.add.s32.msk $0xffff, v1  }
0xa0: {  	[tilespmem:v5+s2+$0x0] =	vst.idx.add.s32.msk $0xffff, v1  }
0xa1: {  	[tilespmem:v6+s2+$0x0] =	vst.idx.add.s32.msk $0xffff, v1  }
0xa2: {  	[tilespmem:v7+s2+$0x0] =	vst.idx.add.s32.msk $0xffff, v1  }
0xa3: {  	[tilespmem:v8+s2+$0x0] =	vst.idx.add.s32.msk $0xffff, v1  }
0xa4: {  	s29 =	simm.s32 $0x0;
	[tilespmem:v9+s2+$0x0] =	vst.idx.add.s32.msk $0xffff, v1  }
.LBB2_10:
0xa5: {  	s29 =	sadd.s32 $0x8, s29;
	[tilespmem:v2+s2+$0x0] =	vst.idx.add.s32.msk $0xffff, v1;
	s28 =	sadd.s32 $0x80, s28  }
0xa6: {  	v3 =	vld [tilespmem:s28+$0xFFFFFFC0];
	p0 =	slt.u32 s29, $0x3F8  }
0xa7: {  	v4 =	vld [tilespmem:s28+$0x30]  }
0xa8: {  	v5 =	vld [tilespmem:s28+$0x20]  }
0xa9: {  	v6 =	vld [tilespmem:s28+$0x10]  }
0xaa: {  	v7 =	vld [tilespmem:s28+$0x0]  }
0xab: {  	v8 =	vld [tilespmem:s28+$0xFFFFFFF0]  }
0xac: {  	v9 =	vld [tilespmem:s28+$0xFFFFFFE0]  }
0xad: {  	v2 =	vld [tilespmem:s28+$0xFFFFFFD0]  }
0xae: {  	[tilespmem:v3+s2+$0x0] =	vst.idx.add.s32.msk $0xffff, v1  }
0xaf: {  	[tilespmem:v4+s2+$0x0] =	vst.idx.add.s32.msk $0xffff, v1  }
.Ltmp4:
0xb0: {  	[tilespmem:v5+s2+$0x0] =	vst.idx.add.s32.msk $0xffff, v1;
	(pc) =	sbr.rel @p0 .LBB2_10-.Ltmp4, $4  }
0xb1: {  	[tilespmem:v6+s2+$0x0] =	vst.idx.add.s32.msk $0xffff, v1  }
0xb2: {  	[tilespmem:v7+s2+$0x0] =	vst.idx.add.s32.msk $0xffff, v1  }
0xb3: {  	[tilespmem:v8+s2+$0x0] =	vst.idx.add.s32.msk $0xffff, v1  }
0xb4: {  	[tilespmem:v9+s2+$0x0] =	vst.idx.add.s32.msk $0xffff, v1  }
0xb5: {  	_ =	sdelay $0x3  }
0xb6: {  	[tilespmem:v2+s2+$0x0] =	vst.idx.add.s32.msk $0xffff, v1  }
0xb7: {  	[tilespmem:s22], [sflag:$0x2] =	stream.linear.gather [hbm4b:s8+s2], $0x4000, $0x38;
	[tilespmem:$0x18000] =	vst v63  }
0xb8: {  	_ =	swait.ge [sflag:s23], $0x4000  }
0xb9: {  	[sflag:s23] =	ssyncset.done $0x0  }
0xba: {  	s28 =	simm.s32 $0x10040;
	[sflag:s23] =	ssyncadd.s32 $0xFFFFC000  }
0xbb: {  	v3 =	vld [tilespmem:s28+$0xFFFFFFC0]  }
0xbc: {  	v4 =	vld [tilespmem:s28+$0x30]  }
0xbd: {  	v5 =	vld [tilespmem:s28+$0x20]  }
0xbe: {  	v6 =	vld [tilespmem:s28+$0x10]  }
0xbf: {  	v7 =	vld [tilespmem:s28+$0x0]  }
0xc0: {  	v8 =	vld [tilespmem:s28+$0xFFFFFFF0]  }
0xc1: {  	v9 =	vld [tilespmem:s28+$0xFFFFFFE0]  }
0xc2: {  	v2 =	vld [tilespmem:s28+$0xFFFFFFD0]  }
0xc3: {  	[tilespmem:v3+s2+$0x0] =	vst.idx.add.s32.msk $0xffff, v1  }
0xc4: {  	[tilespmem:v4+s2+$0x0] =	vst.idx.add.s32.msk $0xffff, v1  }
0xc5: {  	[tilespmem:v5+s2+$0x0] =	vst.idx.add.s32.msk $0xffff, v1  }
0xc6: {  	[tilespmem:v6+s2+$0x0] =	vst.idx.add.s32.msk $0xffff, v1  }
0xc7: {  	[tilespmem:v7+s2+$0x0] =	vst.idx.add.s32.msk $0xffff, v1  }
0xc8: {  	[tilespmem:v8+s2+$0x0] =	vst.idx.add.s32.msk $0xffff, v1  }
0xc9: {  	s29 =	simm.s32 $0x0;
	[tilespmem:v9+s2+$0x0] =	vst.idx.add.s32.msk $0xffff, v1  }
.LBB2_12:
0xca: {  	s29 =	sadd.s32 $0x8, s29;
	[tilespmem:v2+s2+$0x0] =	vst.idx.add.s32.msk $0xffff, v1;
	s28 =	sadd.s32 $0x80, s28  }
0xcb: {  	v3 =	vld [tilespmem:s28+$0xFFFFFFC0];
	p0 =	slt.u32 s29, $0x3F8  }
0xcc: {  	v4 =	vld [tilespmem:s28+$0x30]  }
0xcd: {  	v5 =	vld [tilespmem:s28+$0x20]  }
0xce: {  	v6 =	vld [tilespmem:s28+$0x10]  }
0xcf: {  	v7 =	vld [tilespmem:s28+$0x0]  }
0xd0: {  	v8 =	vld [tilespmem:s28+$0xFFFFFFF0]  }
0xd1: {  	v9 =	vld [tilespmem:s28+$0xFFFFFFE0]  }
0xd2: {  	v2 =	vld [tilespmem:s28+$0xFFFFFFD0]  }
0xd3: {  	[tilespmem:v3+s2+$0x0] =	vst.idx.add.s32.msk $0xffff, v1  }
0xd4: {  	[tilespmem:v4+s2+$0x0] =	vst.idx.add.s32.msk $0xffff, v1  }
.Ltmp5:
0xd5: {  	[tilespmem:v5+s2+$0x0] =	vst.idx.add.s32.msk $0xffff, v1;
	(pc) =	sbr.rel @p0 .LBB2_12-.Ltmp5, $4  }
0xd6: {  	[tilespmem:v6+s2+$0x0] =	vst.idx.add.s32.msk $0xffff, v1  }
0xd7: {  	[tilespmem:v7+s2+$0x0] =	vst.idx.add.s32.msk $0xffff, v1  }
0xd8: {  	[tilespmem:v8+s2+$0x0] =	vst.idx.add.s32.msk $0xffff, v1  }
0xd9: {  	[tilespmem:v9+s2+$0x0] =	vst.idx.add.s32.msk $0xffff, v1  }
0xda: {  	_ =	sdelay $0x3  }
0xdb: {  	[tilespmem:v2+s2+$0x0] =	vst.idx.add.s32.msk $0xffff, v1  }
0xdc: {  	[tilespmem:s21], [sflag:$0x1] =	stream.linear.gather [hbm4b:s9+s2], $0x4000, $0x38;
	[tilespmem:$0x18000] =	vst v63  }
0xdd: {  	_ =	swait.ge [sflag:s24], $0x4000  }
0xde: {  	[sflag:s24] =	ssyncset.done $0x0  }
0xdf: {  	s28 =	simm.s32 $0x14040;
	[sflag:s24] =	ssyncadd.s32 $0xFFFFC000  }
0xe0: {  	v3 =	vld [tilespmem:s28+$0xFFFFFFC0]  }
0xe1: {  	v4 =	vld [tilespmem:s28+$0x30]  }
0xe2: {  	v5 =	vld [tilespmem:s28+$0x20]  }
0xe3: {  	v6 =	vld [tilespmem:s28+$0x10]  }
0xe4: {  	v7 =	vld [tilespmem:s28+$0x0]  }
0xe5: {  	v8 =	vld [tilespmem:s28+$0xFFFFFFF0]  }
0xe6: {  	v9 =	vld [tilespmem:s28+$0xFFFFFFE0]  }
0xe7: {  	v2 =	vld [tilespmem:s28+$0xFFFFFFD0]  }
0xe8: {  	[tilespmem:v3+s2+$0x0] =	vst.idx.add.s32.msk $0xffff, v1  }
0xe9: {  	[tilespmem:v4+s2+$0x0] =	vst.idx.add.s32.msk $0xffff, v1  }
0xea: {  	[tilespmem:v5+s2+$0x0] =	vst.idx.add.s32.msk $0xffff, v1  }
0xeb: {  	[tilespmem:v6+s2+$0x0] =	vst.idx.add.s32.msk $0xffff, v1  }
0xec: {  	[tilespmem:v7+s2+$0x0] =	vst.idx.add.s32.msk $0xffff, v1  }
0xed: {  	[tilespmem:v8+s2+$0x0] =	vst.idx.add.s32.msk $0xffff, v1  }
0xee: {  	s29 =	simm.s32 $0x0;
	[tilespmem:v9+s2+$0x0] =	vst.idx.add.s32.msk $0xffff, v1  }
.LBB2_14:
0xef: {  	s29 =	sadd.s32 $0x8, s29;
	[tilespmem:v2+s2+$0x0] =	vst.idx.add.s32.msk $0xffff, v1;
	s28 =	sadd.s32 $0x80, s28  }
0xf0: {  	v3 =	vld [tilespmem:s28+$0xFFFFFFC0];
	p0 =	slt.u32 s29, $0x3F8  }
0xf1: {  	v4 =	vld [tilespmem:s28+$0x30]  }
0xf2: {  	v5 =	vld [tilespmem:s28+$0x20]  }
0xf3: {  	v6 =	vld [tilespmem:s28+$0x10]  }
0xf4: {  	v7 =	vld [tilespmem:s28+$0x0]  }
0xf5: {  	v8 =	vld [tilespmem:s28+$0xFFFFFFF0]  }
0xf6: {  	v9 =	vld [tilespmem:s28+$0xFFFFFFE0]  }
0xf7: {  	v2 =	vld [tilespmem:s28+$0xFFFFFFD0]  }
0xf8: {  	[tilespmem:v3+s2+$0x0] =	vst.idx.add.s32.msk $0xffff, v1  }
0xf9: {  	[tilespmem:v4+s2+$0x0] =	vst.idx.add.s32.msk $0xffff, v1  }
.Ltmp6:
0xfa: {  	[tilespmem:v5+s2+$0x0] =	vst.idx.add.s32.msk $0xffff, v1;
	(pc) =	sbr.rel @p0 .LBB2_14-.Ltmp6, $4  }
0xfb: {  	[tilespmem:v6+s2+$0x0] =	vst.idx.add.s32.msk $0xffff, v1  }
0xfc: {  	[tilespmem:v7+s2+$0x0] =	vst.idx.add.s32.msk $0xffff, v1  }
0xfd: {  	[tilespmem:v8+s2+$0x0] =	vst.idx.add.s32.msk $0xffff, v1  }
0xfe: {  	[tilespmem:v9+s2+$0x0] =	vst.idx.add.s32.msk $0xffff, v1  }
0xff: {  	_ =	sdelay $0x3  }
0x100: {  	[tilespmem:v2+s2+$0x0] =	vst.idx.add.s32.msk $0xffff, v1  }
0x101: {  	[tilespmem:s22], [sflag:$0x2] =	stream.linear.gather [hbm4b:s10+s2], $0x4000, $0x38;
	[tilespmem:$0x18000] =	vst v63  }
0x102: {  	_ =	swait.ge [sflag:s23], $0x4000  }
0x103: {  	[sflag:s23] =	ssyncset.done $0x0  }
0x104: {  	s28 =	simm.s32 $0x10040;
	[sflag:s23] =	ssyncadd.s32 $0xFFFFC000  }
0x105: {  	v3 =	vld [tilespmem:s28+$0xFFFFFFC0]  }
0x106: {  	v4 =	vld [tilespmem:s28+$0x30]  }
0x107: {  	v5 =	vld [tilespmem:s28+$0x20]  }
0x108: {  	v6 =	vld [tilespmem:s28+$0x10]  }
0x109: {  	v7 =	vld [tilespmem:s28+$0x0]  }
0x10a: {  	v8 =	vld [tilespmem:s28+$0xFFFFFFF0]  }
0x10b: {  	v9 =	vld [tilespmem:s28+$0xFFFFFFE0]  }
0x10c: {  	v2 =	vld [tilespmem:s28+$0xFFFFFFD0]  }
0x10d: {  	[tilespmem:v3+s2+$0x0] =	vst.idx.add.s32.msk $0xffff, v1  }
0x10e: {  	[tilespmem:v4+s2+$0x0] =	vst.idx.add.s32.msk $0xffff, v1  }
0x10f: {  	[tilespmem:v5+s2+$0x0] =	vst.idx.add.s32.msk $0xffff, v1  }
0x110: {  	[tilespmem:v6+s2+$0x0] =	vst.idx.add.s32.msk $0xffff, v1  }
0x111: {  	[tilespmem:v7+s2+$0x0] =	vst.idx.add.s32.msk $0xffff, v1  }
0x112: {  	[tilespmem:v8+s2+$0x0] =	vst.idx.add.s32.msk $0xffff, v1  }
0x113: {  	s29 =	simm.s32 $0x0;
	[tilespmem:v9+s2+$0x0] =	vst.idx.add.s32.msk $0xffff, v1  }
.LBB2_16:
0x114: {  	s29 =	sadd.s32 $0x8, s29;
	[tilespmem:v2+s2+$0x0] =	vst.idx.add.s32.msk $0xffff, v1;
	s28 =	sadd.s32 $0x80, s28  }
0x115: {  	v3 =	vld [tilespmem:s28+$0xFFFFFFC0];
	p0 =	slt.u32 s29, $0x3F8  }
0x116: {  	v4 =	vld [tilespmem:s28+$0x30]  }
0x117: {  	v5 =	vld [tilespmem:s28+$0x20]  }
0x118: {  	v6 =	vld [tilespmem:s28+$0x10]  }
0x119: {  	v7 =	vld [tilespmem:s28+$0x0]  }
0x11a: {  	v8 =	vld [tilespmem:s28+$0xFFFFFFF0]  }
0x11b: {  	v9 =	vld [tilespmem:s28+$0xFFFFFFE0]  }
0x11c: {  	v2 =	vld [tilespmem:s28+$0xFFFFFFD0]  }
0x11d: {  	[tilespmem:v3+s2+$0x0] =	vst.idx.add.s32.msk $0xffff, v1  }
0x11e: {  	[tilespmem:v4+s2+$0x0] =	vst.idx.add.s32.msk $0xffff, v1  }
.Ltmp7:
0x11f: {  	[tilespmem:v5+s2+$0x0] =	vst.idx.add.s32.msk $0xffff, v1;
	(pc) =	sbr.rel @p0 .LBB2_16-.Ltmp7, $4  }
0x120: {  	[tilespmem:v6+s2+$0x0] =	vst.idx.add.s32.msk $0xffff, v1  }
0x121: {  	[tilespmem:v7+s2+$0x0] =	vst.idx.add.s32.msk $0xffff, v1  }
0x122: {  	[tilespmem:v8+s2+$0x0] =	vst.idx.add.s32.msk $0xffff, v1  }
0x123: {  	[tilespmem:v9+s2+$0x0] =	vst.idx.add.s32.msk $0xffff, v1  }
0x124: {  	_ =	sdelay $0x3  }
0x125: {  	[tilespmem:v2+s2+$0x0] =	vst.idx.add.s32.msk $0xffff, v1  }
0x126: {  	[tilespmem:s21], [sflag:$0x1] =	stream.linear.gather [hbm4b:s11+s2], $0x4000, $0x38;
	[tilespmem:$0x18000] =	vst v63  }
0x127: {  	_ =	swait.ge [sflag:s24], $0x4000  }
0x128: {  	[sflag:s24] =	ssyncset.done $0x0  }
0x129: {  	s28 =	simm.s32 $0x14040;
	[sflag:s24] =	ssyncadd.s32 $0xFFFFC000  }
0x12a: {  	v3 =	vld [tilespmem:s28+$0xFFFFFFC0]  }
0x12b: {  	v4 =	vld [tilespmem:s28+$0x30]  }
0x12c: {  	v5 =	vld [tilespmem:s28+$0x20]  }
0x12d: {  	v6 =	vld [tilespmem:s28+$0x10]  }
0x12e: {  	v7 =	vld [tilespmem:s28+$0x0]  }
0x12f: {  	v8 =	vld [tilespmem:s28+$0xFFFFFFF0]  }
0x130: {  	v9 =	vld [tilespmem:s28+$0xFFFFFFE0]  }
0x131: {  	v2 =	vld [tilespmem:s28+$0xFFFFFFD0]  }
0x132: {  	[tilespmem:v3+s2+$0x0] =	vst.idx.add.s32.msk $0xffff, v1  }
0x133: {  	[tilespmem:v4+s2+$0x0] =	vst.idx.add.s32.msk $0xffff, v1  }
0x134: {  	[tilespmem:v5+s2+$0x0] =	vst.idx.add.s32.msk $0xffff, v1  }
0x135: {  	[tilespmem:v6+s2+$0x0] =	vst.idx.add.s32.msk $0xffff, v1  }
0x136: {  	[tilespmem:v7+s2+$0x0] =	vst.idx.add.s32.msk $0xffff, v1  }
0x137: {  	[tilespmem:v8+s2+$0x0] =	vst.idx.add.s32.msk $0xffff, v1  }
0x138: {  	s29 =	simm.s32 $0x0;
	[tilespmem:v9+s2+$0x0] =	vst.idx.add.s32.msk $0xffff, v1  }
.LBB2_18:
0x139: {  	s29 =	sadd.s32 $0x8, s29;
	[tilespmem:v2+s2+$0x0] =	vst.idx.add.s32.msk $0xffff, v1;
	s28 =	sadd.s32 $0x80, s28  }
0x13a: {  	v3 =	vld [tilespmem:s28+$0xFFFFFFC0];
	p0 =	slt.u32 s29, $0x3F8  }
0x13b: {  	v4 =	vld [tilespmem:s28+$0x30]  }
0x13c: {  	v5 =	vld [tilespmem:s28+$0x20]  }
0x13d: {  	v6 =	vld [tilespmem:s28+$0x10]  }
0x13e: {  	v7 =	vld [tilespmem:s28+$0x0]  }
0x13f: {  	v8 =	vld [tilespmem:s28+$0xFFFFFFF0]  }
0x140: {  	v9 =	vld [tilespmem:s28+$0xFFFFFFE0]  }
0x141: {  	v2 =	vld [tilespmem:s28+$0xFFFFFFD0]  }
0x142: {  	[tilespmem:v3+s2+$0x0] =	vst.idx.add.s32.msk $0xffff, v1  }
0x143: {  	[tilespmem:v4+s2+$0x0] =	vst.idx.add.s32.msk $0xffff, v1  }
.Ltmp8:
0x144: {  	[tilespmem:v5+s2+$0x0] =	vst.idx.add.s32.msk $0xffff, v1;
	(pc) =	sbr.rel @p0 .LBB2_18-.Ltmp8, $4  }
0x145: {  	[tilespmem:v6+s2+$0x0] =	vst.idx.add.s32.msk $0xffff, v1  }
0x146: {  	[tilespmem:v7+s2+$0x0] =	vst.idx.add.s32.msk $0xffff, v1  }
0x147: {  	[tilespmem:v8+s2+$0x0] =	vst.idx.add.s32.msk $0xffff, v1  }
0x148: {  	[tilespmem:v9+s2+$0x0] =	vst.idx.add.s32.msk $0xffff, v1  }
0x149: {  	_ =	sdelay $0x3  }
0x14a: {  	[tilespmem:v2+s2+$0x0] =	vst.idx.add.s32.msk $0xffff, v1  }
0x14b: {  	[tilespmem:s22], [sflag:$0x2] =	stream.linear.gather [hbm4b:s12+s2], $0x4000, $0x38;
	[tilespmem:$0x18000] =	vst v63  }
0x14c: {  	_ =	swait.ge [sflag:s23], $0x4000  }
0x14d: {  	[sflag:s23] =	ssyncset.done $0x0  }
0x14e: {  	s28 =	simm.s32 $0x10040;
	[sflag:s23] =	ssyncadd.s32 $0xFFFFC000  }
0x14f: {  	v3 =	vld [tilespmem:s28+$0xFFFFFFC0]  }
0x150: {  	v4 =	vld [tilespmem:s28+$0x30]  }
0x151: {  	v5 =	vld [tilespmem:s28+$0x20]  }
0x152: {  	v6 =	vld [tilespmem:s28+$0x10]  }
0x153: {  	v7 =	vld [tilespmem:s28+$0x0]  }
0x154: {  	v8 =	vld [tilespmem:s28+$0xFFFFFFF0]  }
0x155: {  	v9 =	vld [tilespmem:s28+$0xFFFFFFE0]  }
0x156: {  	v2 =	vld [tilespmem:s28+$0xFFFFFFD0]  }
0x157: {  	[tilespmem:v3+s2+$0x0] =	vst.idx.add.s32.msk $0xffff, v1  }
0x158: {  	[tilespmem:v4+s2+$0x0] =	vst.idx.add.s32.msk $0xffff, v1  }
0x159: {  	[tilespmem:v5+s2+$0x0] =	vst.idx.add.s32.msk $0xffff, v1  }
0x15a: {  	[tilespmem:v6+s2+$0x0] =	vst.idx.add.s32.msk $0xffff, v1  }
0x15b: {  	[tilespmem:v7+s2+$0x0] =	vst.idx.add.s32.msk $0xffff, v1  }
0x15c: {  	[tilespmem:v8+s2+$0x0] =	vst.idx.add.s32.msk $0xffff, v1  }
0x15d: {  	s29 =	simm.s32 $0x0;
	[tilespmem:v9+s2+$0x0] =	vst.idx.add.s32.msk $0xffff, v1  }
.LBB2_20:
0x15e: {  	s29 =	sadd.s32 $0x8, s29;
	[tilespmem:v2+s2+$0x0] =	vst.idx.add.s32.msk $0xffff, v1;
	s28 =	sadd.s32 $0x80, s28  }
0x15f: {  	v3 =	vld [tilespmem:s28+$0xFFFFFFC0];
	p0 =	slt.u32 s29, $0x3F8  }
0x160: {  	v4 =	vld [tilespmem:s28+$0x30]  }
0x161: {  	v5 =	vld [tilespmem:s28+$0x20]  }
0x162: {  	v6 =	vld [tilespmem:s28+$0x10]  }
0x163: {  	v7 =	vld [tilespmem:s28+$0x0]  }
0x164: {  	v8 =	vld [tilespmem:s28+$0xFFFFFFF0]  }
0x165: {  	v9 =	vld [tilespmem:s28+$0xFFFFFFE0]  }
0x166: {  	v2 =	vld [tilespmem:s28+$0xFFFFFFD0]  }
0x167: {  	[tilespmem:v3+s2+$0x0] =	vst.idx.add.s32.msk $0xffff, v1  }
0x168: {  	[tilespmem:v4+s2+$0x0] =	vst.idx.add.s32.msk $0xffff, v1  }
.Ltmp9:
0x169: {  	[tilespmem:v5+s2+$0x0] =	vst.idx.add.s32.msk $0xffff, v1;
	(pc) =	sbr.rel @p0 .LBB2_20-.Ltmp9, $4  }
0x16a: {  	[tilespmem:v6+s2+$0x0] =	vst.idx.add.s32.msk $0xffff, v1  }
0x16b: {  	[tilespmem:v7+s2+$0x0] =	vst.idx.add.s32.msk $0xffff, v1  }
0x16c: {  	[tilespmem:v8+s2+$0x0] =	vst.idx.add.s32.msk $0xffff, v1  }
0x16d: {  	[tilespmem:v9+s2+$0x0] =	vst.idx.add.s32.msk $0xffff, v1  }
0x16e: {  	_ =	sdelay $0x3  }
0x16f: {  	[tilespmem:v2+s2+$0x0] =	vst.idx.add.s32.msk $0xffff, v1  }
0x170: {  	[tilespmem:s21], [sflag:$0x1] =	stream.linear.gather [hbm4b:s13+s2], $0x4000, $0x38;
	[tilespmem:$0x18000] =	vst v63  }
0x171: {  	_ =	swait.ge [sflag:s24], $0x4000  }
0x172: {  	[sflag:s24] =	ssyncset.done $0x0  }
0x173: {  	s28 =	simm.s32 $0x14040;
	[sflag:s24] =	ssyncadd.s32 $0xFFFFC000  }
0x174: {  	v3 =	vld [tilespmem:s28+$0xFFFFFFC0]  }
0x175: {  	v4 =	vld [tilespmem:s28+$0x30]  }
0x176: {  	v5 =	vld [tilespmem:s28+$0x20]  }
0x177: {  	v6 =	vld [tilespmem:s28+$0x10]  }
0x178: {  	v7 =	vld [tilespmem:s28+$0x0]  }
0x179: {  	v8 =	vld [tilespmem:s28+$0xFFFFFFF0]  }
0x17a: {  	v9 =	vld [tilespmem:s28+$0xFFFFFFE0]  }
0x17b: {  	v2 =	vld [tilespmem:s28+$0xFFFFFFD0]  }
0x17c: {  	[tilespmem:v3+s2+$0x0] =	vst.idx.add.s32.msk $0xffff, v1  }
0x17d: {  	[tilespmem:v4+s2+$0x0] =	vst.idx.add.s32.msk $0xffff, v1  }
0x17e: {  	[tilespmem:v5+s2+$0x0] =	vst.idx.add.s32.msk $0xffff, v1  }
0x17f: {  	[tilespmem:v6+s2+$0x0] =	vst.idx.add.s32.msk $0xffff, v1  }
0x180: {  	[tilespmem:v7+s2+$0x0] =	vst.idx.add.s32.msk $0xffff, v1  }
0x181: {  	[tilespmem:v8+s2+$0x0] =	vst.idx.add.s32.msk $0xffff, v1  }
0x182: {  	s29 =	simm.s32 $0x0;
	[tilespmem:v9+s2+$0x0] =	vst.idx.add.s32.msk $0xffff, v1  }
.LBB2_22:
0x183: {  	s29 =	sadd.s32 $0x8, s29;
	[tilespmem:v2+s2+$0x0] =	vst.idx.add.s32.msk $0xffff, v1;
	s28 =	sadd.s32 $0x80, s28  }
0x184: {  	v3 =	vld [tilespmem:s28+$0xFFFFFFC0];
	p0 =	slt.u32 s29, $0x3F8  }
0x185: {  	v4 =	vld [tilespmem:s28+$0x30]  }
0x186: {  	v5 =	vld [tilespmem:s28+$0x20]  }
0x187: {  	v6 =	vld [tilespmem:s28+$0x10]  }
0x188: {  	v7 =	vld [tilespmem:s28+$0x0]  }
0x189: {  	v8 =	vld [tilespmem:s28+$0xFFFFFFF0]  }
0x18a: {  	v9 =	vld [tilespmem:s28+$0xFFFFFFE0]  }
0x18b: {  	v2 =	vld [tilespmem:s28+$0xFFFFFFD0]  }
0x18c: {  	[tilespmem:v3+s2+$0x0] =	vst.idx.add.s32.msk $0xffff, v1  }
0x18d: {  	[tilespmem:v4+s2+$0x0] =	vst.idx.add.s32.msk $0xffff, v1  }
.Ltmp10:
0x18e: {  	[tilespmem:v5+s2+$0x0] =	vst.idx.add.s32.msk $0xffff, v1;
	(pc) =	sbr.rel @p0 .LBB2_22-.Ltmp10, $4  }
0x18f: {  	[tilespmem:v6+s2+$0x0] =	vst.idx.add.s32.msk $0xffff, v1  }
0x190: {  	[tilespmem:v7+s2+$0x0] =	vst.idx.add.s32.msk $0xffff, v1  }
0x191: {  	[tilespmem:v8+s2+$0x0] =	vst.idx.add.s32.msk $0xffff, v1  }
0x192: {  	[tilespmem:v9+s2+$0x0] =	vst.idx.add.s32.msk $0xffff, v1  }
0x193: {  	_ =	sdelay $0x3  }
0x194: {  	[tilespmem:v2+s2+$0x0] =	vst.idx.add.s32.msk $0xffff, v1  }
0x195: {  	[tilespmem:s22], [sflag:$0x2] =	stream.linear.gather [hbm4b:s14+s2], $0x4000, $0x38;
	[tilespmem:$0x18000] =	vst v63  }
0x196: {  	_ =	swait.ge [sflag:s23], $0x4000  }
0x197: {  	[sflag:s23] =	ssyncset.done $0x0  }
0x198: {  	s28 =	simm.s32 $0x10040;
	[sflag:s23] =	ssyncadd.s32 $0xFFFFC000  }
0x199: {  	v3 =	vld [tilespmem:s28+$0xFFFFFFC0]  }
0x19a: {  	v4 =	vld [tilespmem:s28+$0x30]  }
0x19b: {  	v5 =	vld [tilespmem:s28+$0x20]  }
0x19c: {  	v6 =	vld [tilespmem:s28+$0x10]  }
0x19d: {  	v7 =	vld [tilespmem:s28+$0x0]  }
0x19e: {  	v8 =	vld [tilespmem:s28+$0xFFFFFFF0]  }
0x19f: {  	v9 =	vld [tilespmem:s28+$0xFFFFFFE0]  }
0x1a0: {  	v2 =	vld [tilespmem:s28+$0xFFFFFFD0]  }
0x1a1: {  	[tilespmem:v3+s2+$0x0] =	vst.idx.add.s32.msk $0xffff, v1  }
0x1a2: {  	[tilespmem:v4+s2+$0x0] =	vst.idx.add.s32.msk $0xffff, v1  }
0x1a3: {  	[tilespmem:v5+s2+$0x0] =	vst.idx.add.s32.msk $0xffff, v1  }
0x1a4: {  	[tilespmem:v6+s2+$0x0] =	vst.idx.add.s32.msk $0xffff, v1  }
0x1a5: {  	[tilespmem:v7+s2+$0x0] =	vst.idx.add.s32.msk $0xffff, v1  }
0x1a6: {  	[tilespmem:v8+s2+$0x0] =	vst.idx.add.s32.msk $0xffff, v1  }
0x1a7: {  	s29 =	simm.s32 $0x0;
	[tilespmem:v9+s2+$0x0] =	vst.idx.add.s32.msk $0xffff, v1  }
.LBB2_24:
0x1a8: {  	s29 =	sadd.s32 $0x8, s29;
	[tilespmem:v2+s2+$0x0] =	vst.idx.add.s32.msk $0xffff, v1;
	s28 =	sadd.s32 $0x80, s28  }
0x1a9: {  	v3 =	vld [tilespmem:s28+$0xFFFFFFC0];
	p0 =	slt.u32 s29, $0x3F8  }
0x1aa: {  	v4 =	vld [tilespmem:s28+$0x30]  }
0x1ab: {  	v5 =	vld [tilespmem:s28+$0x20]  }
0x1ac: {  	v6 =	vld [tilespmem:s28+$0x10]  }
0x1ad: {  	v7 =	vld [tilespmem:s28+$0x0]  }
0x1ae: {  	v8 =	vld [tilespmem:s28+$0xFFFFFFF0]  }
0x1af: {  	v9 =	vld [tilespmem:s28+$0xFFFFFFE0]  }
0x1b0: {  	v2 =	vld [tilespmem:s28+$0xFFFFFFD0]  }
0x1b1: {  	[tilespmem:v3+s2+$0x0] =	vst.idx.add.s32.msk $0xffff, v1  }
0x1b2: {  	[tilespmem:v4+s2+$0x0] =	vst.idx.add.s32.msk $0xffff, v1  }
.Ltmp11:
0x1b3: {  	[tilespmem:v5+s2+$0x0] =	vst.idx.add.s32.msk $0xffff, v1;
	(pc) =	sbr.rel @p0 .LBB2_24-.Ltmp11, $4  }
0x1b4: {  	[tilespmem:v6+s2+$0x0] =	vst.idx.add.s32.msk $0xffff, v1  }
0x1b5: {  	[tilespmem:v7+s2+$0x0] =	vst.idx.add.s32.msk $0xffff, v1  }
0x1b6: {  	[tilespmem:v8+s2+$0x0] =	vst.idx.add.s32.msk $0xffff, v1  }
0x1b7: {  	[tilespmem:v9+s2+$0x0] =	vst.idx.add.s32.msk $0xffff, v1  }
0x1b8: {  	_ =	sdelay $0x3  }
0x1b9: {  	[tilespmem:v2+s2+$0x0] =	vst.idx.add.s32.msk $0xffff, v1  }
0x1ba: {  	[tilespmem:s21], [sflag:$0x1] =	stream.linear.gather [hbm4b:s15+s2], $0x4000, $0x38;
	[tilespmem:$0x18000] =	vst v63  }
0x1bb: {  	_ =	swait.ge [sflag:s24], $0x4000  }
0x1bc: {  	[sflag:s24] =	ssyncset.done $0x0  }
0x1bd: {  	s28 =	simm.s32 $0x14040;
	[sflag:s24] =	ssyncadd.s32 $0xFFFFC000  }
0x1be: {  	v3 =	vld [tilespmem:s28+$0xFFFFFFC0]  }
0x1bf: {  	v4 =	vld [tilespmem:s28+$0x30]  }
0x1c0: {  	v5 =	vld [tilespmem:s28+$0x20]  }
0x1c1: {  	v6 =	vld [tilespmem:s28+$0x10]  }
0x1c2: {  	v7 =	vld [tilespmem:s28+$0x0]  }
0x1c3: {  	v8 =	vld [tilespmem:s28+$0xFFFFFFF0]  }
0x1c4: {  	v9 =	vld [tilespmem:s28+$0xFFFFFFE0]  }
0x1c5: {  	v2 =	vld [tilespmem:s28+$0xFFFFFFD0]  }
0x1c6: {  	[tilespmem:v3+s2+$0x0] =	vst.idx.add.s32.msk $0xffff, v1  }
0x1c7: {  	[tilespmem:v4+s2+$0x0] =	vst.idx.add.s32.msk $0xffff, v1  }
0x1c8: {  	[tilespmem:v5+s2+$0x0] =	vst.idx.add.s32.msk $0xffff, v1  }
0x1c9: {  	[tilespmem:v6+s2+$0x0] =	vst.idx.add.s32.msk $0xffff, v1  }
0x1ca: {  	[tilespmem:v7+s2+$0x0] =	vst.idx.add.s32.msk $0xffff, v1  }
0x1cb: {  	[tilespmem:v8+s2+$0x0] =	vst.idx.add.s32.msk $0xffff, v1  }
0x1cc: {  	s29 =	simm.s32 $0x0;
	[tilespmem:v9+s2+$0x0] =	vst.idx.add.s32.msk $0xffff, v1  }
.LBB2_26:
0x1cd: {  	s29 =	sadd.s32 $0x8, s29;
	[tilespmem:v2+s2+$0x0] =	vst.idx.add.s32.msk $0xffff, v1;
	s28 =	sadd.s32 $0x80, s28  }
0x1ce: {  	v3 =	vld [tilespmem:s28+$0xFFFFFFC0];
	p0 =	slt.u32 s29, $0x3F8  }
0x1cf: {  	v4 =	vld [tilespmem:s28+$0x30]  }
0x1d0: {  	v5 =	vld [tilespmem:s28+$0x20]  }
0x1d1: {  	v6 =	vld [tilespmem:s28+$0x10]  }
0x1d2: {  	v7 =	vld [tilespmem:s28+$0x0]  }
0x1d3: {  	v8 =	vld [tilespmem:s28+$0xFFFFFFF0]  }
0x1d4: {  	v9 =	vld [tilespmem:s28+$0xFFFFFFE0]  }
0x1d5: {  	v2 =	vld [tilespmem:s28+$0xFFFFFFD0]  }
0x1d6: {  	[tilespmem:v3+s2+$0x0] =	vst.idx.add.s32.msk $0xffff, v1  }
0x1d7: {  	[tilespmem:v4+s2+$0x0] =	vst.idx.add.s32.msk $0xffff, v1  }
.Ltmp12:
0x1d8: {  	[tilespmem:v5+s2+$0x0] =	vst.idx.add.s32.msk $0xffff, v1;
	(pc) =	sbr.rel @p0 .LBB2_26-.Ltmp12, $4  }
0x1d9: {  	[tilespmem:v6+s2+$0x0] =	vst.idx.add.s32.msk $0xffff, v1  }
0x1da: {  	[tilespmem:v7+s2+$0x0] =	vst.idx.add.s32.msk $0xffff, v1  }
0x1db: {  	[tilespmem:v8+s2+$0x0] =	vst.idx.add.s32.msk $0xffff, v1  }
0x1dc: {  	[tilespmem:v9+s2+$0x0] =	vst.idx.add.s32.msk $0xffff, v1  }
0x1dd: {  	_ =	sdelay $0x3  }
0x1de: {  	[tilespmem:v2+s2+$0x0] =	vst.idx.add.s32.msk $0xffff, v1  }
0x1df: {  	[tilespmem:s22], [sflag:$0x2] =	stream.linear.gather [hbm4b:s16+s2], $0x4000, $0x38;
	[tilespmem:$0x18000] =	vst v63  }
0x1e0: {  	_ =	swait.ge [sflag:s23], $0x4000  }
0x1e1: {  	[sflag:s23] =	ssyncset.done $0x0  }
0x1e2: {  	s28 =	simm.s32 $0x10040;
	[sflag:s23] =	ssyncadd.s32 $0xFFFFC000  }
0x1e3: {  	v3 =	vld [tilespmem:s28+$0xFFFFFFC0]  }
0x1e4: {  	v4 =	vld [tilespmem:s28+$0x30]  }
0x1e5: {  	v5 =	vld [tilespmem:s28+$0x20]  }
0x1e6: {  	v6 =	vld [tilespmem:s28+$0x10]  }
0x1e7: {  	v7 =	vld [tilespmem:s28+$0x0]  }
0x1e8: {  	v8 =	vld [tilespmem:s28+$0xFFFFFFF0]  }
0x1e9: {  	v9 =	vld [tilespmem:s28+$0xFFFFFFE0]  }
0x1ea: {  	v2 =	vld [tilespmem:s28+$0xFFFFFFD0]  }
0x1eb: {  	[tilespmem:v3+s2+$0x0] =	vst.idx.add.s32.msk $0xffff, v1  }
0x1ec: {  	[tilespmem:v4+s2+$0x0] =	vst.idx.add.s32.msk $0xffff, v1  }
0x1ed: {  	[tilespmem:v5+s2+$0x0] =	vst.idx.add.s32.msk $0xffff, v1  }
0x1ee: {  	[tilespmem:v6+s2+$0x0] =	vst.idx.add.s32.msk $0xffff, v1  }
0x1ef: {  	[tilespmem:v7+s2+$0x0] =	vst.idx.add.s32.msk $0xffff, v1  }
0x1f0: {  	[tilespmem:v8+s2+$0x0] =	vst.idx.add.s32.msk $0xffff, v1  }
0x1f1: {  	s29 =	simm.s32 $0x0;
	[tilespmem:v9+s2+$0x0] =	vst.idx.add.s32.msk $0xffff, v1  }
.LBB2_28:
0x1f2: {  	s29 =	sadd.s32 $0x8, s29;
	[tilespmem:v2+s2+$0x0] =	vst.idx.add.s32.msk $0xffff, v1;
	s28 =	sadd.s32 $0x80, s28  }
0x1f3: {  	v3 =	vld [tilespmem:s28+$0xFFFFFFC0];
	p0 =	slt.u32 s29, $0x3F8  }
0x1f4: {  	v4 =	vld [tilespmem:s28+$0x30]  }
0x1f5: {  	v5 =	vld [tilespmem:s28+$0x20]  }
0x1f6: {  	v6 =	vld [tilespmem:s28+$0x10]  }
0x1f7: {  	v7 =	vld [tilespmem:s28+$0x0]  }
0x1f8: {  	v8 =	vld [tilespmem:s28+$0xFFFFFFF0]  }
0x1f9: {  	v9 =	vld [tilespmem:s28+$0xFFFFFFE0]  }
0x1fa: {  	v2 =	vld [tilespmem:s28+$0xFFFFFFD0]  }
0x1fb: {  	[tilespmem:v3+s2+$0x0] =	vst.idx.add.s32.msk $0xffff, v1  }
0x1fc: {  	[tilespmem:v4+s2+$0x0] =	vst.idx.add.s32.msk $0xffff, v1  }
.Ltmp13:
0x1fd: {  	[tilespmem:v5+s2+$0x0] =	vst.idx.add.s32.msk $0xffff, v1;
	(pc) =	sbr.rel @p0 .LBB2_28-.Ltmp13, $4  }
0x1fe: {  	[tilespmem:v6+s2+$0x0] =	vst.idx.add.s32.msk $0xffff, v1  }
0x1ff: {  	[tilespmem:v7+s2+$0x0] =	vst.idx.add.s32.msk $0xffff, v1  }
0x200: {  	[tilespmem:v8+s2+$0x0] =	vst.idx.add.s32.msk $0xffff, v1  }
0x201: {  	[tilespmem:v9+s2+$0x0] =	vst.idx.add.s32.msk $0xffff, v1  }
0x202: {  	_ =	sdelay $0x3  }
0x203: {  	[tilespmem:v2+s2+$0x0] =	vst.idx.add.s32.msk $0xffff, v1  }
0x204: {  	[tilespmem:s21], [sflag:$0x1] =	stream.linear.gather [hbm4b:s17+s2], $0x4000, $0x38;
	[tilespmem:$0x18000] =	vst v63  }
0x205: {  	_ =	swait.ge [sflag:s24], $0x4000  }
0x206: {  	[sflag:s24] =	ssyncset.done $0x0  }
0x207: {  	s28 =	simm.s32 $0x14040;
	[sflag:s24] =	ssyncadd.s32 $0xFFFFC000  }
0x208: {  	v3 =	vld [tilespmem:s28+$0xFFFFFFC0]  }
0x209: {  	v4 =	vld [tilespmem:s28+$0x30]  }
0x20a: {  	v5 =	vld [tilespmem:s28+$0x20]  }
0x20b: {  	v6 =	vld [tilespmem:s28+$0x10]  }
0x20c: {  	v7 =	vld [tilespmem:s28+$0x0]  }
0x20d: {  	v8 =	vld [tilespmem:s28+$0xFFFFFFF0]  }
0x20e: {  	v9 =	vld [tilespmem:s28+$0xFFFFFFE0]  }
0x20f: {  	v2 =	vld [tilespmem:s28+$0xFFFFFFD0]  }
0x210: {  	[tilespmem:v3+s2+$0x0] =	vst.idx.add.s32.msk $0xffff, v1  }
0x211: {  	[tilespmem:v4+s2+$0x0] =	vst.idx.add.s32.msk $0xffff, v1  }
0x212: {  	[tilespmem:v5+s2+$0x0] =	vst.idx.add.s32.msk $0xffff, v1  }
0x213: {  	[tilespmem:v6+s2+$0x0] =	vst.idx.add.s32.msk $0xffff, v1  }
0x214: {  	[tilespmem:v7+s2+$0x0] =	vst.idx.add.s32.msk $0xffff, v1  }
0x215: {  	[tilespmem:v8+s2+$0x0] =	vst.idx.add.s32.msk $0xffff, v1  }
0x216: {  	s29 =	simm.s32 $0x0;
	[tilespmem:v9+s2+$0x0] =	vst.idx.add.s32.msk $0xffff, v1  }
.LBB2_30:
0x217: {  	s29 =	sadd.s32 $0x8, s29;
	[tilespmem:v2+s2+$0x0] =	vst.idx.add.s32.msk $0xffff, v1;
	s28 =	sadd.s32 $0x80, s28  }
0x218: {  	v3 =	vld [tilespmem:s28+$0xFFFFFFC0];
	p0 =	slt.u32 s29, $0x3F8  }
0x219: {  	v4 =	vld [tilespmem:s28+$0x30]  }
0x21a: {  	v5 =	vld [tilespmem:s28+$0x20]  }
0x21b: {  	v6 =	vld [tilespmem:s28+$0x10]  }
0x21c: {  	v7 =	vld [tilespmem:s28+$0x0]  }
0x21d: {  	v8 =	vld [tilespmem:s28+$0xFFFFFFF0]  }
0x21e: {  	v9 =	vld [tilespmem:s28+$0xFFFFFFE0]  }
0x21f: {  	v2 =	vld [tilespmem:s28+$0xFFFFFFD0]  }
0x220: {  	[tilespmem:v3+s2+$0x0] =	vst.idx.add.s32.msk $0xffff, v1  }
0x221: {  	[tilespmem:v4+s2+$0x0] =	vst.idx.add.s32.msk $0xffff, v1  }
.Ltmp14:
0x222: {  	[tilespmem:v5+s2+$0x0] =	vst.idx.add.s32.msk $0xffff, v1;
	(pc) =	sbr.rel @p0 .LBB2_30-.Ltmp14, $4  }
0x223: {  	[tilespmem:v6+s2+$0x0] =	vst.idx.add.s32.msk $0xffff, v1  }
0x224: {  	[tilespmem:v7+s2+$0x0] =	vst.idx.add.s32.msk $0xffff, v1  }
0x225: {  	[tilespmem:v8+s2+$0x0] =	vst.idx.add.s32.msk $0xffff, v1  }
0x226: {  	[tilespmem:v9+s2+$0x0] =	vst.idx.add.s32.msk $0xffff, v1  }
0x227: {  	_ =	sdelay $0x3  }
0x228: {  	[tilespmem:v2+s2+$0x0] =	vst.idx.add.s32.msk $0xffff, v1  }
0x229: {  	[tilespmem:s22], [sflag:$0x2] =	stream.linear.gather [hbm4b:s18+s2], $0x4000, $0x38;
	[tilespmem:$0x18000] =	vst v63  }
0x22a: {  	_ =	swait.ge [sflag:s23], $0x4000  }
0x22b: {  	[sflag:s23] =	ssyncset.done $0x0  }
0x22c: {  	s28 =	simm.s32 $0x10040;
	[sflag:s23] =	ssyncadd.s32 $0xFFFFC000  }
0x22d: {  	v3 =	vld [tilespmem:s28+$0xFFFFFFC0]  }
0x22e: {  	v4 =	vld [tilespmem:s28+$0x30]  }
0x22f: {  	v5 =	vld [tilespmem:s28+$0x20]  }
0x230: {  	v6 =	vld [tilespmem:s28+$0x10]  }
0x231: {  	v7 =	vld [tilespmem:s28+$0x0]  }
0x232: {  	v8 =	vld [tilespmem:s28+$0xFFFFFFF0]  }
0x233: {  	v9 =	vld [tilespmem:s28+$0xFFFFFFE0]  }
0x234: {  	v2 =	vld [tilespmem:s28+$0xFFFFFFD0]  }
0x235: {  	[tilespmem:v3+s2+$0x0] =	vst.idx.add.s32.msk $0xffff, v1  }
0x236: {  	[tilespmem:v4+s2+$0x0] =	vst.idx.add.s32.msk $0xffff, v1  }
0x237: {  	[tilespmem:v5+s2+$0x0] =	vst.idx.add.s32.msk $0xffff, v1  }
0x238: {  	[tilespmem:v6+s2+$0x0] =	vst.idx.add.s32.msk $0xffff, v1  }
0x239: {  	[tilespmem:v7+s2+$0x0] =	vst.idx.add.s32.msk $0xffff, v1  }
0x23a: {  	[tilespmem:v8+s2+$0x0] =	vst.idx.add.s32.msk $0xffff, v1  }
0x23b: {  	s29 =	simm.s32 $0x0;
	[tilespmem:v9+s2+$0x0] =	vst.idx.add.s32.msk $0xffff, v1  }
.LBB2_32:
0x23c: {  	s29 =	sadd.s32 $0x8, s29;
	[tilespmem:v2+s2+$0x0] =	vst.idx.add.s32.msk $0xffff, v1;
	s28 =	sadd.s32 $0x80, s28  }
0x23d: {  	v3 =	vld [tilespmem:s28+$0xFFFFFFC0];
	p0 =	slt.u32 s29, $0x3F8  }
0x23e: {  	v4 =	vld [tilespmem:s28+$0x30]  }
0x23f: {  	v5 =	vld [tilespmem:s28+$0x20]  }
0x240: {  	v6 =	vld [tilespmem:s28+$0x10]  }
0x241: {  	v7 =	vld [tilespmem:s28+$0x0]  }
0x242: {  	v8 =	vld [tilespmem:s28+$0xFFFFFFF0]  }
0x243: {  	v9 =	vld [tilespmem:s28+$0xFFFFFFE0]  }
0x244: {  	v2 =	vld [tilespmem:s28+$0xFFFFFFD0]  }
0x245: {  	[tilespmem:v3+s2+$0x0] =	vst.idx.add.s32.msk $0xffff, v1  }
0x246: {  	[tilespmem:v4+s2+$0x0] =	vst.idx.add.s32.msk $0xffff, v1  }
.Ltmp15:
0x247: {  	[tilespmem:v5+s2+$0x0] =	vst.idx.add.s32.msk $0xffff, v1;
	(pc) =	sbr.rel @p0 .LBB2_32-.Ltmp15, $4  }
0x248: {  	[tilespmem:v6+s2+$0x0] =	vst.idx.add.s32.msk $0xffff, v1  }
0x249: {  	[tilespmem:v7+s2+$0x0] =	vst.idx.add.s32.msk $0xffff, v1  }
0x24a: {  	[tilespmem:v8+s2+$0x0] =	vst.idx.add.s32.msk $0xffff, v1  }
0x24b: {  	[tilespmem:v9+s2+$0x0] =	vst.idx.add.s32.msk $0xffff, v1  }
0x24c: {  	_ =	sdelay $0x3  }
0x24d: {  	[tilespmem:v2+s2+$0x0] =	vst.idx.add.s32.msk $0xffff, v1  }
0x24e: {  	_ =	swait.ge [sflag:s24], $0x4000  }
0x24f: {  	[sflag:s24] =	ssyncset.done $0x0  }
0x250: {  	s28 =	simm.s32 $0x14040;
	[sflag:s24] =	ssyncadd.s32 $0xFFFFC000  }
0x251: {  	v3 =	vld [tilespmem:s28+$0xFFFFFFC0]  }
0x252: {  	v4 =	vld [tilespmem:s28+$0x30]  }
0x253: {  	v5 =	vld [tilespmem:s28+$0x20]  }
0x254: {  	v6 =	vld [tilespmem:s28+$0x10]  }
0x255: {  	v7 =	vld [tilespmem:s28+$0x0]  }
0x256: {  	v8 =	vld [tilespmem:s28+$0xFFFFFFF0]  }
0x257: {  	v9 =	vld [tilespmem:s28+$0xFFFFFFE0]  }
0x258: {  	v2 =	vld [tilespmem:s28+$0xFFFFFFD0]  }
0x259: {  	[tilespmem:v3+s2+$0x0] =	vst.idx.add.s32.msk $0xffff, v1  }
0x25a: {  	[tilespmem:v4+s2+$0x0] =	vst.idx.add.s32.msk $0xffff, v1  }
0x25b: {  	[tilespmem:v5+s2+$0x0] =	vst.idx.add.s32.msk $0xffff, v1  }
0x25c: {  	[tilespmem:v6+s2+$0x0] =	vst.idx.add.s32.msk $0xffff, v1  }
0x25d: {  	[tilespmem:v7+s2+$0x0] =	vst.idx.add.s32.msk $0xffff, v1  }
0x25e: {  	[tilespmem:v8+s2+$0x0] =	vst.idx.add.s32.msk $0xffff, v1  }
0x25f: {  	s29 =	simm.s32 $0x0;
	[tilespmem:v9+s2+$0x0] =	vst.idx.add.s32.msk $0xffff, v1  }
.LBB2_34:
0x260: {  	s29 =	sadd.s32 $0x8, s29;
	[tilespmem:v2+s2+$0x0] =	vst.idx.add.s32.msk $0xffff, v1;
	s28 =	sadd.s32 $0x80, s28  }
0x261: {  	v3 =	vld [tilespmem:s28+$0xFFFFFFC0];
	p0 =	slt.u32 s29, $0x3F8  }
0x262: {  	v4 =	vld [tilespmem:s28+$0x30]  }
0x263: {  	v5 =	vld [tilespmem:s28+$0x20]  }
0x264: {  	v6 =	vld [tilespmem:s28+$0x10]  }
0x265: {  	v7 =	vld [tilespmem:s28+$0x0]  }
0x266: {  	v8 =	vld [tilespmem:s28+$0xFFFFFFF0]  }
0x267: {  	v9 =	vld [tilespmem:s28+$0xFFFFFFE0]  }
0x268: {  	v2 =	vld [tilespmem:s28+$0xFFFFFFD0]  }
0x269: {  	[tilespmem:v3+s2+$0x0] =	vst.idx.add.s32.msk $0xffff, v1  }
0x26a: {  	[tilespmem:v4+s2+$0x0] =	vst.idx.add.s32.msk $0xffff, v1  }
.Ltmp16:
0x26b: {  	[tilespmem:v5+s2+$0x0] =	vst.idx.add.s32.msk $0xffff, v1;
	(pc) =	sbr.rel @p0 .LBB2_34-.Ltmp16, $4  }
0x26c: {  	[tilespmem:v6+s2+$0x0] =	vst.idx.add.s32.msk $0xffff, v1  }
0x26d: {  	[tilespmem:v7+s2+$0x0] =	vst.idx.add.s32.msk $0xffff, v1  }
0x26e: {  	[tilespmem:v8+s2+$0x0] =	vst.idx.add.s32.msk $0xffff, v1  }
0x26f: {  	[tilespmem:v9+s2+$0x0] =	vst.idx.add.s32.msk $0xffff, v1  }
0x270: {  	_ =	sdelay $0x1  }
0x271: {  	s26 =	sadd.s32 $0x1, s26  }
0x272: {  	p0 =	sne.s32 s26, s20  }
.Ltmp17:
0x273: {  	[tilespmem:v2+s2+$0x0] =	vst.idx.add.s32.msk $0xffff, v1;
	(pc) =	sbr.rel @p0 .LBB2_1-.Ltmp17, $4  }
0x274: {  	[hbm4b:s19+s2] =	stream.linear.scatter [tilespmem:s2], [sflag:$0x3], $0x10000, $0x38;
	[tilespmem:$0x18000] =	vst v63  }
0x275: {  	_ =	swait.ge [sflag:s25], $0x10000  }
0x276: {  	[sflag:s25] =	ssyncset.done $0x0  }
0x277: {  	[sflag:s25] =	ssyncadd.s32 $0xFFFF0000  }
0x278: {  	_ =	sfence.sel $0x180000  }
0x279: {  	[bflag:$0x0] =	sbarrier.arrive $0xFFFF  }
0x27a: {  	p0 =	sne.s32 s1, $0x0;
	_ =	strace $0x90000047  }
0x27b: {  	s0 =	sadd.s32 @!p0 $0x100000, s0;
	[bflag:$0x2] =	sbarrier.arrive $0xFFFF  }
0x27c: {  	[sflag:s0] =	ssyncadd.tile.s32 @!p0 $0x1;
	_ =	shalt  }
.Lfunc_end2:
_tile_overlayer_lowered:
.L_overlay_start_2:
0x27d: {  	(tag) =	ssettag $0x2  }
0x27e: {  	s0 =	rddreg [dreg:$0x0];
	s2 =	stileid.u32  }
0x27f: {  	s1 =	rddreg [dreg:$0x1];
	p0 =	sne.s32 s2, $0x0  }
0x280: {  	s3 =	rddreg [dreg:$0x2];
	[bflag:$0x3] =	sbarrier.arrive $0xFFFF;
	s2 =	simm.s32 @!p0 $0x1C03  }
0x281: {  	[timem:s3], [sflag:s2] =	dma.local @!p0 [hbm:s0], s1  }
0x282: {  	s0 =	simm.s32 @!p0 $0x3  }
0x283: {  	_ =	swait.ge @!p0 [sflag:s0], s1  }
0x284: {  	s1 =	ssub.s32 @!p0 $0x0, s1;
	[sflag:s0] =	ssyncset.done @!p0 $0x0  }
0x285: {  	[sflag:s0] =	ssyncadd.s32 @!p0 s1  }
0x286: {  	[bflag:$0x3] =	sbarrier.arrive $0xFFFF  }
0x287: {  	_ =	shalt  }

</sc_bundles>
